<compile_context>
chip_gen: v7x
topology: tpu7x:2x2x1
jax: 0.10.2.dev20260603
libtpu: 0.0.44.dev20260713+nightly
codegen_flags: <defaults>
</compile_context>

<pallas_src>
import functools

import jax
import jax.numpy as jnp
from jax import lax
from jax.experimental import pallas as pl
from jax.experimental.pallas import tpu as pltpu
from jax.experimental.pallas import tpu_sc as plsc

N = 10000
E = 320000
D = 128
G = 64
NC, NS, L = 2, 16, 16

CH = 128
NCHUNK = 79
E_PAD = 32 * NCHUNK * CH
SCHUNK = 2 * NCHUNK
K0 = 120
K1 = SCHUNK - K0
KMAX = max(K0, K1)
SLAB = K0 + KMAX
NROWS = 10112
ZROWS = 632
BN = 1000
NBLK = N // BN



@functools.cache
def _sc_scatter_kernel():
    mesh = plsc.VectorSubcoreMesh(core_axis_name="c", subcore_axis_name="s")
    return functools.partial(
        pl.kernel,
        out_type=jax.ShapeDtypeStruct((NC, NROWS, D), jnp.float32),
        mesh=mesh,
        scratch_types=[
            pltpu.VMEM_SHARED((NROWS, D), jnp.float32),
            pltpu.VMEM((KMAX, CH), jnp.int32),
            pltpu.VMEM((KMAX, CH), jnp.int32),
            pltpu.VMEM((CH, D), jnp.float32),
            pltpu.SemaphoreType.DMA,
        ],
    )(_sc_scatter_body)


def _sc_scatter_body(table, srcC, dstC, zer, acc3,
                     acc_sp, srcv, dstv, gbuf, sem):
    c = lax.axis_index("c")
    s = lax.axis_index("s")
    start = jnp.where(c == 0, 0, K0)
    count = jnp.where(c == 0, K0, K1)
    pltpu.sync_copy(srcC.at[s, pl.ds(start, KMAX)], srcv)
    pltpu.sync_copy(dstC.at[s, pl.ds(start, KMAX)], dstv)
    pltpu.sync_copy(zer, acc_sp.at[pl.ds(s * ZROWS, ZROWS)])
    plsc.subcore_barrier()

    def body(j, _):
        pltpu.async_copy(table.at[srcv.at[j]], gbuf, sem).wait()
        pltpu.sync_copy(gbuf, acc_sp.at[dstv.at[j]], add=True)
        return 0

    lax.fori_loop(0, count, body, 0)
    plsc.subcore_barrier()
    pltpu.sync_copy(acc_sp.at[pl.ds(s * ZROWS, ZROWS)],
                    acc3.at[c, pl.ds(s * ZROWS, ZROWS)])



EPT = E_PAD // 32
DROWS = NROWS // NS


@functools.cache
def _sc_degree_kernel():
    mesh = plsc.VectorSubcoreMesh(core_axis_name="c", subcore_axis_name="s")
    return functools.partial(
        pl.kernel,
        out_type=jax.ShapeDtypeStruct((NC, NROWS, L), jnp.float32),
        mesh=mesh,
        compiler_params=pltpu.CompilerParams(needs_layout_passes=False),
        scratch_types=[
            pltpu.VMEM_SHARED((NS * NROWS,), jnp.float32),
            pltpu.VMEM((NROWS,), jnp.float32),
            pltpu.VMEM((DROWS + 8,), jnp.float32),
            pltpu.VMEM((DROWS + 8,), jnp.float32),
            pltpu.VMEM((EPT,), jnp.int32),
            pltpu.VMEM((DROWS, L), jnp.float32),
        ],
    )(_sc_degree_body)


def _sc_degree_body(dstF, deg3, tabs_sp, hist_v, sum_v, tmp_v, dstv, rep_v):
    c = lax.axis_index("c")
    s = lax.axis_index("s")
    wid = s * NC + c
    pltpu.sync_copy(dstF.at[wid], dstv)
    zeros16 = jnp.zeros((L,), jnp.float32)
    ones16 = jnp.ones((L,), jnp.float32)

    def zbody(j, _):
        hist_v[pl.ds(j * L, L)] = zeros16
        return 0

    lax.fori_loop(0, NROWS // L, zbody, 0)

    def hbody(j, _):
        idx = dstv[pl.ds(j * L, L)]
        plsc.addupdate_scatter(hist_v, [idx], ones16)
        return 0

    lax.fori_loop(0, EPT // L, hbody, 0)

    pltpu.sync_copy(hist_v, tabs_sp.at[pl.ds(s * NROWS, NROWS)])
    plsc.subcore_barrier()
    pltpu.sync_copy(tabs_sp.at[pl.ds(s * DROWS, DROWS)],
                    sum_v.at[pl.ds(0, DROWS)])
    for t in range(1, NS):
        pltpu.sync_copy(tabs_sp.at[pl.ds(t * NROWS + s * DROWS, DROWS)],
                        tmp_v.at[pl.ds(0, DROWS)])

        def abody(k, _):
            sl = pl.ds(k * L, L)
            sum_v[sl] = sum_v[sl] + tmp_v[sl]
            return 0

        lax.fori_loop(0, (DROWS + 8) // L, abody, 0)

    def rbody(j, _):
        v = plsc.load_gather(sum_v, [jnp.full((L,), j, jnp.int32)])
        plsc.store_scatter(
            rep_v, [jnp.full((L,), j, jnp.int32), lax.iota(jnp.int32, L)], v)
        return 0

    lax.fori_loop(0, DROWS, rbody, 0)
    pltpu.sync_copy(rep_v, deg3.at[c, pl.ds(s * DROWS, DROWS)])



def _dinv_block(degA, degB):
    deg = degA[0][:, :1] + degB[0][:, :1] + 1.0
    return lax.rsqrt(deg)


def _deg_specs():
    return [
        pl.BlockSpec((1, BN, L), lambda i: (0, i, 0)),
        pl.BlockSpec((1, BN, L), lambda i: (1, i, 0)),
    ]


def _tc1_body(x_ref, w1_ref, degA_ref, degB_ref, hs_ref):
    dinv = _dinv_block(degA_ref[...], degB_ref[...])
    h = jnp.dot(x_ref[...], w1_ref[...], preferred_element_type=jnp.float32)
    hs_ref[...] = h * dinv


def _tc1(x, W1, deg3):
    return pl.pallas_call(
        _tc1_body,
        grid=(NBLK,),
        in_specs=[
            pl.BlockSpec((BN, D), lambda i: (i, 0)),
            pl.BlockSpec((D, D), lambda i: (0, 0)),
        ] + _deg_specs(),
        out_specs=pl.BlockSpec((BN, D), lambda i: (i, 0)),
        out_shape=jax.ShapeDtypeStruct((N, D), jnp.float32),
    )(x, W1, deg3, deg3)


def _tc2_body(accA_ref, accB_ref, hs_ref, degA_ref, degB_ref,
              b1_ref, w2_ref, o_ref):
    dinv = _dinv_block(degA_ref[...], degB_ref[...])
    acc = accA_ref[0] + accB_ref[0]
    h1 = jax.nn.relu(dinv * (acc + hs_ref[...]) + b1_ref[...])
    o_ref[...] = jnp.dot(h1, w2_ref[...],
                         preferred_element_type=jnp.float32) * dinv


def _tc2(acc3, hs, deg3, b1, W2):
    return pl.pallas_call(
        _tc2_body,
        grid=(NBLK,),
        in_specs=[
            pl.BlockSpec((1, BN, D), lambda i: (0, i, 0)),
            pl.BlockSpec((1, BN, D), lambda i: (1, i, 0)),
            pl.BlockSpec((BN, D), lambda i: (i, 0)),
        ] + _deg_specs() + [
            pl.BlockSpec((1, D), lambda i: (0, 0)),
            pl.BlockSpec((D, D), lambda i: (0, 0)),
        ],
        out_specs=pl.BlockSpec((BN, D), lambda i: (i, 0)),
        out_shape=jax.ShapeDtypeStruct((N, D), jnp.float32),
    )(acc3, acc3, hs, deg3, deg3, b1, W2)


def _tc3_body(accA_ref, accB_ref, hs_ref, degA_ref, degB_ref,
              b2_ref, batch_ref, wf1_ref, bf1_ref, wf2_ref, bf2_ref,
              out_ref, pool_s, cnt_s):
    i = pl.program_id(0)
    dinv = _dinv_block(degA_ref[...], degB_ref[...])
    acc = accA_ref[0] + accB_ref[0]
    h2 = jax.nn.relu(dinv * (acc + hs_ref[...]) + b2_ref[...])

    @pl.when(i == 0)
    def _():
        pool_s[...] = jnp.zeros_like(pool_s)
        cnt_s[...] = jnp.zeros_like(cnt_s)

    ids = batch_ref[0, 0, :]
    gids = lax.broadcasted_iota(jnp.int32, (G, BN), 0)
    onehot = (ids[None, :] == gids).astype(jnp.float32)
    pool_s[...] += jnp.dot(onehot, h2, preferred_element_type=jnp.float32)
    cnt_s[...] += jnp.dot(onehot, jnp.ones((BN, D), jnp.float32),
                          preferred_element_type=jnp.float32)

    @pl.when(i == NBLK - 1)
    def _():
        pooled = pool_s[...] / jnp.maximum(cnt_s[...], 1.0)
        o = jax.nn.relu(
            jnp.dot(pooled, wf1_ref[...], preferred_element_type=jnp.float32)
            + bf1_ref[...])
        out_ref[...] = (
            jnp.dot(o, wf2_ref[...], preferred_element_type=jnp.float32)
            + bf2_ref[...])


def _tc3(acc3, hs, deg3, b2, batch3, Wf1, bf1, Wf2p, bf2p):
    return pl.pallas_call(
        _tc3_body,
        grid=(NBLK,),
        in_specs=[
            pl.BlockSpec((1, BN, D), lambda i: (0, i, 0)),
            pl.BlockSpec((1, BN, D), lambda i: (1, i, 0)),
            pl.BlockSpec((BN, D), lambda i: (i, 0)),
        ] + _deg_specs() + [
            pl.BlockSpec((1, D), lambda i: (0, 0)),
            pl.BlockSpec((1, 1, BN), lambda i: (i, 0, 0)),
            pl.BlockSpec((D, G), lambda i: (0, 0)),
            pl.BlockSpec((1, G), lambda i: (0, 0)),
            pl.BlockSpec((G, D), lambda i: (0, 0)),
            pl.BlockSpec((1, D), lambda i: (0, 0)),
        ],
        out_specs=pl.BlockSpec((G, D), lambda i: (0, 0)),
        out_shape=jax.ShapeDtypeStruct((G, D), jnp.float32),
        scratch_shapes=[
            pltpu.VMEM((G, D), jnp.float32),
            pltpu.VMEM((G, D), jnp.float32),
        ],
    )(acc3, acc3, hs, deg3, deg3, b2, batch3, Wf1, bf1, Wf2p, bf2p)



def kernel(x, edge_index, batch, W1, b1, W2, b2, Wf1, bf1, Wf2, bf2):
    src = edge_index[0].astype(jnp.int32)
    dst = edge_index[1].astype(jnp.int32)
    npad = E_PAD - E
    src_pad = jnp.concatenate([src, jnp.zeros((npad,), jnp.int32)])
    dst_pad = jnp.concatenate([dst, jnp.full((npad,), N, jnp.int32)])

    src2 = src_pad.reshape(NS, SCHUNK, CH)
    dst2 = dst_pad.reshape(NS, SCHUNK, CH)
    padc = jnp.zeros((NS, SLAB - SCHUNK, CH), jnp.int32)
    srcC = jnp.concatenate([src2, padc], axis=1)
    dstC = jnp.concatenate([dst2, jnp.full((NS, SLAB - SCHUNK, CH), N,
                                           jnp.int32)], axis=1)

    dstF = dst_pad.reshape(32, EPT)
    zer128 = jnp.zeros((ZROWS, D), jnp.float32)
    batch3 = batch.astype(jnp.int32).reshape(NBLK, 1, BN)

    scat = _sc_scatter_kernel()
    deg3 = _sc_degree_kernel()(dstF)
    hs = _tc1(x, W1, deg3)
    acc3 = scat(hs, srcC, dstC, zer128)
    hs2 = _tc2(acc3, hs, deg3, b1.reshape(1, D), W2)
    acc23 = scat(hs2, srcC, dstC, zer128)
    Wf2p = jnp.zeros((G, D), jnp.float32).at[:, :2].set(Wf2)
    bf2p = jnp.zeros((1, D), jnp.float32).at[:, :2].set(bf2.reshape(1, 2))
    outp = _tc3(acc23, hs2, deg3, b2.reshape(1, D), batch3,
                Wf1, bf1.reshape(1, G), Wf2p, bf2p)
    return outp[:, :2]

# --- scband reference (transcript-rebuilt; emitter-appended) ---
"""Pipeline reference for scband-simplest-gnn-23252952940861 (READ-ONLY COPY).

The authoritative reference and input builder live on the scoring server;
editing this copy changes nothing except your own understanding.
"""

import jax, jax.numpy as jnp
import numpy as np

N_NODES = 10000
N_EDGES = 320000
D_IN = 128
D_HID = 128
D_FC = 64
D_OUT = 2
N_GRAPHS = 64


def setup_inputs(seed: int = 0) -> dict:
    key = jax.random.key(seed)
    ks = jax.random.split(key, 12)
    x = jax.random.normal(ks[0], (N_NODES, D_IN), dtype=jnp.float32)
    edge_index = jax.random.randint(ks[1], (2, N_EDGES), 0, N_NODES)
    batch = jnp.sort(jax.random.randint(ks[2], (N_NODES,), 0, N_GRAPHS))
    # GCNConv weights (glorot-style scale) and biases
    W1 = jax.random.normal(ks[3], (D_IN, D_HID), dtype=jnp.float32) * (1.0 / np.sqrt(D_IN))
    b1 = jnp.zeros((D_HID,), dtype=jnp.float32)
    W2 = jax.random.normal(ks[4], (D_HID, D_HID), dtype=jnp.float32) * (1.0 / np.sqrt(D_HID))
    b2 = jnp.zeros((D_HID,), dtype=jnp.float32)
    Wf1 = jax.random.normal(ks[5], (D_HID, D_FC), dtype=jnp.float32) * (1.0 / np.sqrt(D_HID))
    bf1 = jnp.zeros((D_FC,), dtype=jnp.float32)
    Wf2 = jax.random.normal(ks[6], (D_FC, D_OUT), dtype=jnp.float32) * (1.0 / np.sqrt(D_FC))
    bf2 = jnp.zeros((D_OUT,), dtype=jnp.float32)
    return {"x": x, "edge_index": edge_index, "batch": batch,
            "W1": W1, "b1": b1, "W2": W2, "b2": b2,
            "Wf1": Wf1, "bf1": bf1, "Wf2": Wf2, "bf2": bf2}


def _gcn_conv(x, edge_index, W, b):
    # PyG GCNConv: add self loops, symmetric normalization, linear, scatter-add, bias
    n = x.shape[0]
    loop = jnp.arange(n, dtype=edge_index.dtype)
    src = jnp.concatenate([edge_index[0], loop])
    dst = jnp.concatenate([edge_index[1], loop])
    h = x @ W
    deg = jnp.zeros((n,), dtype=h.dtype).at[dst].add(1.0)
    deg_inv_sqrt = jnp.where(deg > 0, deg ** -0.5, 0.0)
    norm = deg_inv_sqrt[src] * deg_inv_sqrt[dst]
    msg = h[src] * norm[:, None]
    agg = jnp.zeros((n, h.shape[1]), dtype=h.dtype).at[dst].add(msg)
    return agg + b


def reference(x, edge_index, batch, W1, b1, W2, b2, Wf1, bf1, Wf2, bf2):
    h = jax.nn.relu(_gcn_conv(x, edge_index, W1, b1))
    # dropout is identity in eval mode
    h = jax.nn.relu(_gcn_conv(h, edge_index, W2, b2))
    # global_mean_pool over graph batch ids
    sums = jax.ops.segment_sum(h, batch, num_segments=N_GRAPHS)
    counts = jax.ops.segment_sum(jnp.ones((h.shape[0],), dtype=h.dtype), batch, num_segments=N_GRAPHS)
    pooled = sums / jnp.maximum(counts, 1.0)[:, None]
    o = jax.nn.relu(pooled @ Wf1 + bf1)
    return o @ Wf2 + bf2

if __name__ == "__main__":
    import jax
    _d = setup_inputs()
    print(jax.jit(kernel)(*tuple(_d.values())))

</pallas_src>

<mosaic_0001>
#map = affine_map<(d0, d1) -> (0, 0)>
#map1 = affine_map<(d0, d1) -> (0, 0, 0)>
module attributes {stable_mosaic.version = 14 : i64} {
  func.func @_sc_degree_body(%arg0: i32, %arg1: i32, %arg2: memref<32x10112xi32, #tpu.memory_space<hbm>>, %arg3: memref<2x10112x16xf32, #tpu.memory_space<hbm>>, %arg4: memref<161792xf32, #tpu.memory_space<vmem_shared>>, %arg5: memref<10112xf32, #tpu.memory_space<vmem>>, %arg6: memref<640xf32, #tpu.memory_space<vmem>>, %arg7: memref<640xf32, #tpu.memory_space<vmem>>, %arg8: memref<10112xi32, #tpu.memory_space<vmem>>, %arg9: memref<632x16xf32, #tpu.memory_space<vmem>>) attributes {dimension_semantics = [#tpu.dimension_semantics<core_parallel>, #tpu.dimension_semantics<subcore_parallel>], iteration_bounds = array<i64: 2, 16>, scalar_prefetch = 0 : i64, scratch_operands = 6 : i64, tpu.core_type = #tpu.core_type<sc_vector_subcore>, window_params = [{transform_indices = #map}, {transform_indices = #map1}]} {
    %mul3A = arith.constant 2 : i32
    %mul3A_0 = arith.muli %arg1, %mul3A : i32
    %add3A = arith.addi %mul3A_0, %arg0 : i32
    "tpu.region"() ({
      %run_scoped3A = tpu.sem_alloc : memref<!tpu.dma_semaphore, #tpu.memory_space<semaphore_mem>>
      %dma_start3A = arith.constant 0 : i32
      %dma_start3A_195 = tpu.memref_slice %arg2[%add3A, %dma_start3A] : memref<32x10112xi32, #tpu.memory_space<hbm>> -> memref<1x10112xi32, #tpu.memory_space<hbm>>
      %dma_start3A_196 = tpu.memref_squeeze %dma_start3A_195 : memref<1x10112xi32, #tpu.memory_space<hbm>> -> memref<10112xi32, #tpu.memory_space<hbm>>
      %dma_start3A_197 = arith.constant 0 : i32
      %dma_start3A_198 = tpu.memref_slice %arg2[%add3A, %dma_start3A_197] : memref<32x10112xi32, #tpu.memory_space<hbm>> -> memref<1x10112xi32, #tpu.memory_space<hbm>>
      %dma_start3A_199 = tpu.memref_squeeze %dma_start3A_198 : memref<1x10112xi32, #tpu.memory_space<hbm>> -> memref<10112xi32, #tpu.memory_space<hbm>>
      tpu.enqueue_dma source(%dma_start3A_199 : memref<10112xi32, #tpu.memory_space<hbm>>) target(%arg8 : memref<10112xi32, #tpu.memory_space<vmem>>) target_semaphore(%run_scoped3A : memref<!tpu.dma_semaphore, #tpu.memory_space<semaphore_mem>>)
      %dma_wait3A = arith.constant 0 : i32
      %dma_wait3A_200 = tpu.memref_slice %arg2[%add3A, %dma_wait3A] : memref<32x10112xi32, #tpu.memory_space<hbm>> -> memref<1x10112xi32, #tpu.memory_space<hbm>>
      %dma_wait3A_201 = tpu.memref_squeeze %dma_wait3A_200 : memref<1x10112xi32, #tpu.memory_space<hbm>> -> memref<10112xi32, #tpu.memory_space<hbm>>
      %dma_wait3A_202 = arith.constant 0 : i32
      %dma_wait3A_203 = tpu.memref_slice %arg2[%add3A, %dma_wait3A_202] : memref<32x10112xi32, #tpu.memory_space<hbm>> -> memref<1x10112xi32, #tpu.memory_space<hbm>>
      %dma_wait3A_204 = tpu.memref_squeeze %dma_wait3A_203 : memref<1x10112xi32, #tpu.memory_space<hbm>> -> memref<10112xi32, #tpu.memory_space<hbm>>
      tpu.wait_dma2 semaphore(%run_scoped3A : memref<!tpu.dma_semaphore, #tpu.memory_space<semaphore_mem>>) src(%dma_wait3A_204 : memref<10112xi32, #tpu.memory_space<hbm>>) dst(%arg8 : memref<10112xi32, #tpu.memory_space<vmem>>)
      tpu.yield
    }) : () -> ()
    %broadcast_in_dim3A = arith.constant 0.000000e+00 : f32
    %broadcast_in_dim3A_1 = vector.broadcast %broadcast_in_dim3A : f32 to vector<16xf32>
    %broadcast_in_dim3A_2 = arith.constant 1.000000e+00 : f32
    %broadcast_in_dim3A_3 = vector.broadcast %broadcast_in_dim3A_2 : f32 to vector<16xf32>
    %scan3A = arith.constant 0 : i32
    %scan3A_4 = arith.constant 0 : i32
    %scan3A_5 = arith.constant 632 : i32
    %scan3A_6 = arith.addi %scan3A_4, %scan3A_5 : i32
    %scan3A_7 = arith.constant 1 : i32
    %scan3A_8 = scf.for %scan3A_195 = %scan3A_4 to %scan3A_6 step %scan3A_7 iter_args(%scan3A_196 = %scan3A) -> (i32)  : i32 {
      %mul3A_197 = arith.constant 16 : i32
      %mul3A_198 = arith.muli %scan3A_195, %mul3A_197 : i32
      %swap3A = arith.index_cast %mul3A_198 : i32 to index
      %swap3A_199 = tpu.vector_load %arg5[%swap3A] {strides = array<i32>} : memref<10112xf32, #tpu.memory_space<vmem>>, vector<16xf32>,
      tpu.vector_store %arg5[%swap3A], %broadcast_in_dim3A_1 {strides = array<i32>} : memref<10112xf32, #tpu.memory_space<vmem>>, vector<16xf32>,
      %scan3A_200 = arith.constant 0 : i32
      scf.yield %scan3A_200 : i32
    }
    %scan3A_9 = arith.constant 632 : i32
    %scan3A_10 = arith.constant 0 : i32
    %scan3A_11 = arith.constant 0 : i32
    %scan3A_12 = arith.constant 632 : i32
    %scan3A_13 = arith.addi %scan3A_11, %scan3A_12 : i32
    %scan3A_14 = arith.constant 1 : i32
    %scan3A_15 = scf.for %scan3A_195 = %scan3A_11 to %scan3A_13 step %scan3A_14 iter_args(%scan3A_196 = %scan3A_10) -> (i32)  : i32 {
      %mul3A_197 = arith.constant 16 : i32
      %mul3A_198 = arith.muli %scan3A_195, %mul3A_197 : i32
      %get3A = arith.index_cast %mul3A_198 : i32 to index
      %get3A_199 = tpu.vector_load %arg8[%get3A] {strides = array<i32>} : memref<10112xi32, #tpu.memory_space<vmem>>, vector<16xi32>,
      tpu.vector_store_idx %arg5[%get3A_199], %broadcast_in_dim3A_3 {add = true} : memref<10112xf32, #tpu.memory_space<vmem>>[vector<16xi32>], vector<16xf32>,
      %scan3A_200 = arith.constant 0 : i32
      scf.yield %scan3A_200 : i32
    }
    %scan3A_16 = arith.constant 632 : i32
    %mul3A_17 = arith.constant 10112 : i32
    %mul3A_18 = arith.muli %arg1, %mul3A_17 : i32
    "tpu.region"() ({
      %run_scoped3A = tpu.sem_alloc : memref<!tpu.dma_semaphore, #tpu.memory_space<semaphore_mem>>
      %dma_start3A = tpu.memref_slice %arg4[%mul3A_18] : memref<161792xf32, #tpu.memory_space<vmem_shared>> -> memref<10112xf32, #tpu.memory_space<vmem_shared>>
      %dma_start3A_195 = tpu.memref_slice %arg4[%mul3A_18] : memref<161792xf32, #tpu.memory_space<vmem_shared>> -> memref<10112xf32, #tpu.memory_space<vmem_shared>>
      tpu.enqueue_dma source(%arg5 : memref<10112xf32, #tpu.memory_space<vmem>>) target(%dma_start3A_195 : memref<10112xf32, #tpu.memory_space<vmem_shared>>) target_semaphore(%run_scoped3A : memref<!tpu.dma_semaphore, #tpu.memory_space<semaphore_mem>>)
      %dma_wait3A = tpu.memref_slice %arg4[%mul3A_18] : memref<161792xf32, #tpu.memory_space<vmem_shared>> -> memref<10112xf32, #tpu.memory_space<vmem_shared>>
      %dma_wait3A_196 = tpu.memref_slice %arg4[%mul3A_18] : memref<161792xf32, #tpu.memory_space<vmem_shared>> -> memref<10112xf32, #tpu.memory_space<vmem_shared>>
      tpu.wait_dma2 semaphore(%run_scoped3A : memref<!tpu.dma_semaphore, #tpu.memory_space<semaphore_mem>>) src(%arg5 : memref<10112xf32, #tpu.memory_space<vmem>>) dst(%dma_wait3A_196 : memref<10112xf32, #tpu.memory_space<vmem_shared>>)
      tpu.yield
    }) : () -> ()
    %barrier3A = arith.constant 0 : index
    tpu.barrier barrier_id(%barrier3A)
    %mul3A_19 = arith.constant 632 : i32
    %mul3A_20 = arith.muli %arg1, %mul3A_19 : i32
    "tpu.region"() ({
      %run_scoped3A = tpu.sem_alloc : memref<!tpu.dma_semaphore, #tpu.memory_space<semaphore_mem>>
      %dma_start3A = arith.constant 0 : i32
      %dma_start3A_195 = tpu.memref_slice %arg6[%dma_start3A] : memref<640xf32, #tpu.memory_space<vmem>> -> memref<632xf32, #tpu.memory_space<vmem>>
      %dma_start3A_196 = tpu.memref_slice %arg4[%mul3A_20] : memref<161792xf32, #tpu.memory_space<vmem_shared>> -> memref<632xf32, #tpu.memory_space<vmem_shared>>
      %dma_start3A_197 = arith.constant 0 : i32
      %dma_start3A_198 = tpu.memref_slice %arg6[%dma_start3A_197] : memref<640xf32, #tpu.memory_space<vmem>> -> memref<632xf32, #tpu.memory_space<vmem>>
      %dma_start3A_199 = tpu.memref_slice %arg4[%mul3A_20] : memref<161792xf32, #tpu.memory_space<vmem_shared>> -> memref<632xf32, #tpu.memory_space<vmem_shared>>
      tpu.enqueue_dma source(%dma_start3A_199 : memref<632xf32, #tpu.memory_space<vmem_shared>>) target(%dma_start3A_198 : memref<632xf32, #tpu.memory_space<vmem>>) target_semaphore(%run_scoped3A : memref<!tpu.dma_semaphore, #tpu.memory_space<semaphore_mem>>)
      %dma_wait3A = arith.constant 0 : i32
      %dma_wait3A_200 = tpu.memref_slice %arg6[%dma_wait3A] : memref<640xf32, #tpu.memory_space<vmem>> -> memref<632xf32, #tpu.memory_space<vmem>>
      %dma_wait3A_201 = tpu.memref_slice %arg4[%mul3A_20] : memref<161792xf32, #tpu.memory_space<vmem_shared>> -> memref<632xf32, #tpu.memory_space<vmem_shared>>
      %dma_wait3A_202 = arith.constant 0 : i32
      %dma_wait3A_203 = tpu.memref_slice %arg6[%dma_wait3A_202] : memref<640xf32, #tpu.memory_space<vmem>> -> memref<632xf32, #tpu.memory_space<vmem>>
      %dma_wait3A_204 = tpu.memref_slice %arg4[%mul3A_20] : memref<161792xf32, #tpu.memory_space<vmem_shared>> -> memref<632xf32, #tpu.memory_space<vmem_shared>>
      tpu.wait_dma2 semaphore(%run_scoped3A : memref<!tpu.dma_semaphore, #tpu.memory_space<semaphore_mem>>) src(%dma_wait3A_204 : memref<632xf32, #tpu.memory_space<vmem_shared>>) dst(%dma_wait3A_203 : memref<632xf32, #tpu.memory_space<vmem>>)
      tpu.yield
    }) : () -> ()
    %mul3A_21 = arith.constant 632 : i32
    %mul3A_22 = arith.muli %arg1, %mul3A_21 : i32
    %add3A_23 = arith.constant 10112 : i32
    %add3A_24 = arith.addi %add3A_23, %mul3A_22 : i32
    "tpu.region"() ({
      %run_scoped3A = tpu.sem_alloc : memref<!tpu.dma_semaphore, #tpu.memory_space<semaphore_mem>>
      %dma_start3A = arith.constant 0 : i32
      %dma_start3A_195 = tpu.memref_slice %arg7[%dma_start3A] : memref<640xf32, #tpu.memory_space<vmem>> -> memref<632xf32, #tpu.memory_space<vmem>>
      %dma_start3A_196 = tpu.memref_slice %arg4[%add3A_24] : memref<161792xf32, #tpu.memory_space<vmem_shared>> -> memref<632xf32, #tpu.memory_space<vmem_shared>>
      %dma_start3A_197 = arith.constant 0 : i32
      %dma_start3A_198 = tpu.memref_slice %arg7[%dma_start3A_197] : memref<640xf32, #tpu.memory_space<vmem>> -> memref<632xf32, #tpu.memory_space<vmem>>
      %dma_start3A_199 = tpu.memref_slice %arg4[%add3A_24] : memref<161792xf32, #tpu.memory_space<vmem_shared>> -> memref<632xf32, #tpu.memory_space<vmem_shared>>
      tpu.enqueue_dma source(%dma_start3A_199 : memref<632xf32, #tpu.memory_space<vmem_shared>>) target(%dma_start3A_198 : memref<632xf32, #tpu.memory_space<vmem>>) target_semaphore(%run_scoped3A : memref<!tpu.dma_semaphore, #tpu.memory_space<semaphore_mem>>)
      %dma_wait3A = arith.constant 0 : i32
      %dma_wait3A_200 = tpu.memref_slice %arg7[%dma_wait3A] : memref<640xf32, #tpu.memory_space<vmem>> -> memref<632xf32, #tpu.memory_space<vmem>>
      %dma_wait3A_201 = tpu.memref_slice %arg4[%add3A_24] : memref<161792xf32, #tpu.memory_space<vmem_shared>> -> memref<632xf32, #tpu.memory_space<vmem_shared>>
      %dma_wait3A_202 = arith.constant 0 : i32
      %dma_wait3A_203 = tpu.memref_slice %arg7[%dma_wait3A_202] : memref<640xf32, #tpu.memory_space<vmem>> -> memref<632xf32, #tpu.memory_space<vmem>>
      %dma_wait3A_204 = tpu.memref_slice %arg4[%add3A_24] : memref<161792xf32, #tpu.memory_space<vmem_shared>> -> memref<632xf32, #tpu.memory_space<vmem_shared>>
      tpu.wait_dma2 semaphore(%run_scoped3A : memref<!tpu.dma_semaphore, #tpu.memory_space<semaphore_mem>>) src(%dma_wait3A_204 : memref<632xf32, #tpu.memory_space<vmem_shared>>) dst(%dma_wait3A_203 : memref<632xf32, #tpu.memory_space<vmem>>)
      tpu.yield
    }) : () -> ()
    %scan3A_25 = arith.constant 0 : i32
    %scan3A_26 = arith.constant 0 : i32
    %scan3A_27 = arith.constant 40 : i32
    %scan3A_28 = arith.addi %scan3A_26, %scan3A_27 : i32
    %scan3A_29 = arith.constant 1 : i32
    %scan3A_30 = scf.for %scan3A_195 = %scan3A_26 to %scan3A_28 step %scan3A_29 iter_args(%scan3A_196 = %scan3A_25) -> (i32)  : i32 {
      %mul3A_197 = arith.constant 16 : i32
      %mul3A_198 = arith.muli %scan3A_195, %mul3A_197 : i32
      %get3A = arith.index_cast %mul3A_198 : i32 to index
      %get3A_199 = tpu.vector_load %arg6[%get3A] {strides = array<i32>} : memref<640xf32, #tpu.memory_space<vmem>>, vector<16xf32>,
      %get3A_200 = arith.index_cast %mul3A_198 : i32 to index
      %get3A_201 = tpu.vector_load %arg7[%get3A_200] {strides = array<i32>} : memref<640xf32, #tpu.memory_space<vmem>>, vector<16xf32>,
      %add3A_202 = arith.addf %get3A_199, %get3A_201 : vector<16xf32>
      %swap3A = arith.index_cast %mul3A_198 : i32 to index
      %swap3A_203 = tpu.vector_load %arg6[%swap3A] {strides = array<i32>} : memref<640xf32, #tpu.memory_space<vmem>>, vector<16xf32>,
      tpu.vector_store %arg6[%swap3A], %add3A_202 {strides = array<i32>} : memref<640xf32, #tpu.memory_space<vmem>>, vector<16xf32>,
      %scan3A_204 = arith.constant 0 : i32
      scf.yield %scan3A_204 : i32
    }
    %scan3A_31 = arith.constant 40 : i32
    %mul3A_32 = arith.constant 632 : i32
    %mul3A_33 = arith.muli %arg1, %mul3A_32 : i32
    %add3A_34 = arith.constant 20224 : i32
    %add3A_35 = arith.addi %add3A_34, %mul3A_33 : i32
    "tpu.region"() ({
      %run_scoped3A = tpu.sem_alloc : memref<!tpu.dma_semaphore, #tpu.memory_space<semaphore_mem>>
      %dma_start3A = arith.constant 0 : i32
      %dma_start3A_195 = tpu.memref_slice %arg7[%dma_start3A] : memref<640xf32, #tpu.memory_space<vmem>> -> memref<632xf32, #tpu.memory_space<vmem>>
      %dma_start3A_196 = tpu.memref_slice %arg4[%add3A_35] : memref<161792xf32, #tpu.memory_space<vmem_shared>> -> memref<632xf32, #tpu.memory_space<vmem_shared>>
      %dma_start3A_197 = arith.constant 0 : i32
      %dma_start3A_198 = tpu.memref_slice %arg7[%dma_start3A_197] : memref<640xf32, #tpu.memory_space<vmem>> -> memref<632xf32, #tpu.memory_space<vmem>>
      %dma_start3A_199 = tpu.memref_slice %arg4[%add3A_35] : memref<161792xf32, #tpu.memory_space<vmem_shared>> -> memref<632xf32, #tpu.memory_space<vmem_shared>>
      tpu.enqueue_dma source(%dma_start3A_199 : memref<632xf32, #tpu.memory_space<vmem_shared>>) target(%dma_start3A_198 : memref<632xf32, #tpu.memory_space<vmem>>) target_semaphore(%run_scoped3A : memref<!tpu.dma_semaphore, #tpu.memory_space<semaphore_mem>>)
      %dma_wait3A = arith.constant 0 : i32
      %dma_wait3A_200 = tpu.memref_slice %arg7[%dma_wait3A] : memref<640xf32, #tpu.memory_space<vmem>> -> memref<632xf32, #tpu.memory_space<vmem>>
      %dma_wait3A_201 = tpu.memref_slice %arg4[%add3A_35] : memref<161792xf32, #tpu.memory_space<vmem_shared>> -> memref<632xf32, #tpu.memory_space<vmem_shared>>
      %dma_wait3A_202 = arith.constant 0 : i32
      %dma_wait3A_203 = tpu.memref_slice %arg7[%dma_wait3A_202] : memref<640xf32, #tpu.memory_space<vmem>> -> memref<632xf32, #tpu.memory_space<vmem>>
      %dma_wait3A_204 = tpu.memref_slice %arg4[%add3A_35] : memref<161792xf32, #tpu.memory_space<vmem_shared>> -> memref<632xf32, #tpu.memory_space<vmem_shared>>
      tpu.wait_dma2 semaphore(%run_scoped3A : memref<!tpu.dma_semaphore, #tpu.memory_space<semaphore_mem>>) src(%dma_wait3A_204 : memref<632xf32, #tpu.memory_space<vmem_shared>>) dst(%dma_wait3A_203 : memref<632xf32, #tpu.memory_space<vmem>>)
      tpu.yield
    }) : () -> ()
    %scan3A_36 = arith.constant 0 : i32
    %scan3A_37 = arith.constant 0 : i32
    %scan3A_38 = arith.constant 40 : i32
    %scan3A_39 = arith.addi %scan3A_37, %scan3A_38 : i32
    %scan3A_40 = arith.constant 1 : i32
    %scan3A_41 = scf.for %scan3A_195 = %scan3A_37 to %scan3A_39 step %scan3A_40 iter_args(%scan3A_196 = %scan3A_36) -> (i32)  : i32 {
      %mul3A_197 = arith.constant 16 : i32
      %mul3A_198 = arith.muli %scan3A_195, %mul3A_197 : i32
      %get3A = arith.index_cast %mul3A_198 : i32 to index
      %get3A_199 = tpu.vector_load %arg6[%get3A] {strides = array<i32>} : memref<640xf32, #tpu.memory_space<vmem>>, vector<16xf32>,
      %get3A_200 = arith.index_cast %mul3A_198 : i32 to index
      %get3A_201 = tpu.vector_load %arg7[%get3A_200] {strides = array<i32>} : memref<640xf32, #tpu.memory_space<vmem>>, vector<16xf32>,
      %add3A_202 = arith.addf %get3A_199, %get3A_201 : vector<16xf32>
      %swap3A = arith.index_cast %mul3A_198 : i32 to index
      %swap3A_203 = tpu.vector_load %arg6[%swap3A] {strides = array<i32>} : memref<640xf32, #tpu.memory_space<vmem>>, vector<16xf32>,
      tpu.vector_store %arg6[%swap3A], %add3A_202 {strides = array<i32>} : memref<640xf32, #tpu.memory_space<vmem>>, vector<16xf32>,
      %scan3A_204 = arith.constant 0 : i32
      scf.yield %scan3A_204 : i32
    }
    %scan3A_42 = arith.constant 40 : i32
    %mul3A_43 = arith.constant 632 : i32
    %mul3A_44 = arith.muli %arg1, %mul3A_43 : i32
    %add3A_45 = arith.constant 30336 : i32
    %add3A_46 = arith.addi %add3A_45, %mul3A_44 : i32
    "tpu.region"() ({
      %run_scoped3A = tpu.sem_alloc : memref<!tpu.dma_semaphore, #tpu.memory_space<semaphore_mem>>
      %dma_start3A = arith.constant 0 : i32
      %dma_start3A_195 = tpu.memref_slice %arg7[%dma_start3A] : memref<640xf32, #tpu.memory_space<vmem>> -> memref<632xf32, #tpu.memory_space<vmem>>
      %dma_start3A_196 = tpu.memref_slice %arg4[%add3A_46] : memref<161792xf32, #tpu.memory_space<vmem_shared>> -> memref<632xf32, #tpu.memory_space<vmem_shared>>
      %dma_start3A_197 = arith.constant 0 : i32
      %dma_start3A_198 = tpu.memref_slice %arg7[%dma_start3A_197] : memref<640xf32, #tpu.memory_space<vmem>> -> memref<632xf32, #tpu.memory_space<vmem>>
      %dma_start3A_199 = tpu.memref_slice %arg4[%add3A_46] : memref<161792xf32, #tpu.memory_space<vmem_shared>> -> memref<632xf32, #tpu.memory_space<vmem_shared>>
      tpu.enqueue_dma source(%dma_start3A_199 : memref<632xf32, #tpu.memory_space<vmem_shared>>) target(%dma_start3A_198 : memref<632xf32, #tpu.memory_space<vmem>>) target_semaphore(%run_scoped3A : memref<!tpu.dma_semaphore, #tpu.memory_space<semaphore_mem>>)
      %dma_wait3A = arith.constant 0 : i32
      %dma_wait3A_200 = tpu.memref_slice %arg7[%dma_wait3A] : memref<640xf32, #tpu.memory_space<vmem>> -> memref<632xf32, #tpu.memory_space<vmem>>
      %dma_wait3A_201 = tpu.memref_slice %arg4[%add3A_46] : memref<161792xf32, #tpu.memory_space<vmem_shared>> -> memref<632xf32, #tpu.memory_space<vmem_shared>>
      %dma_wait3A_202 = arith.constant 0 : i32
      %dma_wait3A_203 = tpu.memref_slice %arg7[%dma_wait3A_202] : memref<640xf32, #tpu.memory_space<vmem>> -> memref<632xf32, #tpu.memory_space<vmem>>
      %dma_wait3A_204 = tpu.memref_slice %arg4[%add3A_46] : memref<161792xf32, #tpu.memory_space<vmem_shared>> -> memref<632xf32, #tpu.memory_space<vmem_shared>>
      tpu.wait_dma2 semaphore(%run_scoped3A : memref<!tpu.dma_semaphore, #tpu.memory_space<semaphore_mem>>) src(%dma_wait3A_204 : memref<632xf32, #tpu.memory_space<vmem_shared>>) dst(%dma_wait3A_203 : memref<632xf32, #tpu.memory_space<vmem>>)
      tpu.yield
    }) : () -> ()
    %scan3A_47 = arith.constant 0 : i32
    %scan3A_48 = arith.constant 0 : i32
    %scan3A_49 = arith.constant 40 : i32
    %scan3A_50 = arith.addi %scan3A_48, %scan3A_49 : i32
    %scan3A_51 = arith.constant 1 : i32
    %scan3A_52 = scf.for %scan3A_195 = %scan3A_48 to %scan3A_50 step %scan3A_51 iter_args(%scan3A_196 = %scan3A_47) -> (i32)  : i32 {
      %mul3A_197 = arith.constant 16 : i32
      %mul3A_198 = arith.muli %scan3A_195, %mul3A_197 : i32
      %get3A = arith.index_cast %mul3A_198 : i32 to index
      %get3A_199 = tpu.vector_load %arg6[%get3A] {strides = array<i32>} : memref<640xf32, #tpu.memory_space<vmem>>, vector<16xf32>,
      %get3A_200 = arith.index_cast %mul3A_198 : i32 to index
      %get3A_201 = tpu.vector_load %arg7[%get3A_200] {strides = array<i32>} : memref<640xf32, #tpu.memory_space<vmem>>, vector<16xf32>,
      %add3A_202 = arith.addf %get3A_199, %get3A_201 : vector<16xf32>
      %swap3A = arith.index_cast %mul3A_198 : i32 to index
      %swap3A_203 = tpu.vector_load %arg6[%swap3A] {strides = array<i32>} : memref<640xf32, #tpu.memory_space<vmem>>, vector<16xf32>,
      tpu.vector_store %arg6[%swap3A], %add3A_202 {strides = array<i32>} : memref<640xf32, #tpu.memory_space<vmem>>, vector<16xf32>,
      %scan3A_204 = arith.constant 0 : i32
      scf.yield %scan3A_204 : i32
    }
    %scan3A_53 = arith.constant 40 : i32
    %mul3A_54 = arith.constant 632 : i32
    %mul3A_55 = arith.muli %arg1, %mul3A_54 : i32
    %add3A_56 = arith.constant 40448 : i32
    %add3A_57 = arith.addi %add3A_56, %mul3A_55 : i32
    "tpu.region"() ({
      %run_scoped3A = tpu.sem_alloc : memref<!tpu.dma_semaphore, #tpu.memory_space<semaphore_mem>>
      %dma_start3A = arith.constant 0 : i32
      %dma_start3A_195 = tpu.memref_slice %arg7[%dma_start3A] : memref<640xf32, #tpu.memory_space<vmem>> -> memref<632xf32, #tpu.memory_space<vmem>>
      %dma_start3A_196 = tpu.memref_slice %arg4[%add3A_57] : memref<161792xf32, #tpu.memory_space<vmem_shared>> -> memref<632xf32, #tpu.memory_space<vmem_shared>>
      %dma_start3A_197 = arith.constant 0 : i32
      %dma_start3A_198 = tpu.memref_slice %arg7[%dma_start3A_197] : memref<640xf32, #tpu.memory_space<vmem>> -> memref<632xf32, #tpu.memory_space<vmem>>
      %dma_start3A_199 = tpu.memref_slice %arg4[%add3A_57] : memref<161792xf32, #tpu.memory_space<vmem_shared>> -> memref<632xf32, #tpu.memory_space<vmem_shared>>
      tpu.enqueue_dma source(%dma_start3A_199 : memref<632xf32, #tpu.memory_space<vmem_shared>>) target(%dma_start3A_198 : memref<632xf32, #tpu.memory_space<vmem>>) target_semaphore(%run_scoped3A : memref<!tpu.dma_semaphore, #tpu.memory_space<semaphore_mem>>)
      %dma_wait3A = arith.constant 0 : i32
      %dma_wait3A_200 = tpu.memref_slice %arg7[%dma_wait3A] : memref<640xf32, #tpu.memory_space<vmem>> -> memref<632xf32, #tpu.memory_space<vmem>>
      %dma_wait3A_201 = tpu.memref_slice %arg4[%add3A_57] : memref<161792xf32, #tpu.memory_space<vmem_shared>> -> memref<632xf32, #tpu.memory_space<vmem_shared>>
      %dma_wait3A_202 = arith.constant 0 : i32
      %dma_wait3A_203 = tpu.memref_slice %arg7[%dma_wait3A_202] : memref<640xf32, #tpu.memory_space<vmem>> -> memref<632xf32, #tpu.memory_space<vmem>>
      %dma_wait3A_204 = tpu.memref_slice %arg4[%add3A_57] : memref<161792xf32, #tpu.memory_space<vmem_shared>> -> memref<632xf32, #tpu.memory_space<vmem_shared>>
      tpu.wait_dma2 semaphore(%run_scoped3A : memref<!tpu.dma_semaphore, #tpu.memory_space<semaphore_mem>>) src(%dma_wait3A_204 : memref<632xf32, #tpu.memory_space<vmem_shared>>) dst(%dma_wait3A_203 : memref<632xf32, #tpu.memory_space<vmem>>)
      tpu.yield
    }) : () -> ()
    %scan3A_58 = arith.constant 0 : i32
    %scan3A_59 = arith.constant 0 : i32
    %scan3A_60 = arith.constant 40 : i32
    %scan3A_61 = arith.addi %scan3A_59, %scan3A_60 : i32
    %scan3A_62 = arith.constant 1 : i32
    %scan3A_63 = scf.for %scan3A_195 = %scan3A_59 to %scan3A_61 step %scan3A_62 iter_args(%scan3A_196 = %scan3A_58) -> (i32)  : i32 {
      %mul3A_197 = arith.constant 16 : i32
      %mul3A_198 = arith.muli %scan3A_195, %mul3A_197 : i32
      %get3A = arith.index_cast %mul3A_198 : i32 to index
      %get3A_199 = tpu.vector_load %arg6[%get3A] {strides = array<i32>} : memref<640xf32, #tpu.memory_space<vmem>>, vector<16xf32>,
      %get3A_200 = arith.index_cast %mul3A_198 : i32 to index
      %get3A_201 = tpu.vector_load %arg7[%get3A_200] {strides = array<i32>} : memref<640xf32, #tpu.memory_space<vmem>>, vector<16xf32>,
      %add3A_202 = arith.addf %get3A_199, %get3A_201 : vector<16xf32>
      %swap3A = arith.index_cast %mul3A_198 : i32 to index
      %swap3A_203 = tpu.vector_load %arg6[%swap3A] {strides = array<i32>} : memref<640xf32, #tpu.memory_space<vmem>>, vector<16xf32>,
      tpu.vector_store %arg6[%swap3A], %add3A_202 {strides = array<i32>} : memref<640xf32, #tpu.memory_space<vmem>>, vector<16xf32>,
      %scan3A_204 = arith.constant 0 : i32
      scf.yield %scan3A_204 : i32
    }
    %scan3A_64 = arith.constant 40 : i32
    %mul3A_65 = arith.constant 632 : i32
    %mul3A_66 = arith.muli %arg1, %mul3A_65 : i32
    %add3A_67 = arith.constant 50560 : i32
    %add3A_68 = arith.addi %add3A_67, %mul3A_66 : i32
    "tpu.region"() ({
      %run_scoped3A = tpu.sem_alloc : memref<!tpu.dma_semaphore, #tpu.memory_space<semaphore_mem>>
      %dma_start3A = arith.constant 0 : i32
      %dma_start3A_195 = tpu.memref_slice %arg7[%dma_start3A] : memref<640xf32, #tpu.memory_space<vmem>> -> memref<632xf32, #tpu.memory_space<vmem>>
      %dma_start3A_196 = tpu.memref_slice %arg4[%add3A_68] : memref<161792xf32, #tpu.memory_space<vmem_shared>> -> memref<632xf32, #tpu.memory_space<vmem_shared>>
      %dma_start3A_197 = arith.constant 0 : i32
      %dma_start3A_198 = tpu.memref_slice %arg7[%dma_start3A_197] : memref<640xf32, #tpu.memory_space<vmem>> -> memref<632xf32, #tpu.memory_space<vmem>>
      %dma_start3A_199 = tpu.memref_slice %arg4[%add3A_68] : memref<161792xf32, #tpu.memory_space<vmem_shared>> -> memref<632xf32, #tpu.memory_space<vmem_shared>>
      tpu.enqueue_dma source(%dma_start3A_199 : memref<632xf32, #tpu.memory_space<vmem_shared>>) target(%dma_start3A_198 : memref<632xf32, #tpu.memory_space<vmem>>) target_semaphore(%run_scoped3A : memref<!tpu.dma_semaphore, #tpu.memory_space<semaphore_mem>>)
      %dma_wait3A = arith.constant 0 : i32
      %dma_wait3A_200 = tpu.memref_slice %arg7[%dma_wait3A] : memref<640xf32, #tpu.memory_space<vmem>> -> memref<632xf32, #tpu.memory_space<vmem>>
      %dma_wait3A_201 = tpu.memref_slice %arg4[%add3A_68] : memref<161792xf32, #tpu.memory_space<vmem_shared>> -> memref<632xf32, #tpu.memory_space<vmem_shared>>
      %dma_wait3A_202 = arith.constant 0 : i32
      %dma_wait3A_203 = tpu.memref_slice %arg7[%dma_wait3A_202] : memref<640xf32, #tpu.memory_space<vmem>> -> memref<632xf32, #tpu.memory_space<vmem>>
      %dma_wait3A_204 = tpu.memref_slice %arg4[%add3A_68] : memref<161792xf32, #tpu.memory_space<vmem_shared>> -> memref<632xf32, #tpu.memory_space<vmem_shared>>
      tpu.wait_dma2 semaphore(%run_scoped3A : memref<!tpu.dma_semaphore, #tpu.memory_space<semaphore_mem>>) src(%dma_wait3A_204 : memref<632xf32, #tpu.memory_space<vmem_shared>>) dst(%dma_wait3A_203 : memref<632xf32, #tpu.memory_space<vmem>>)
      tpu.yield
    }) : () -> ()
    %scan3A_69 = arith.constant 0 : i32
    %scan3A_70 = arith.constant 0 : i32
    %scan3A_71 = arith.constant 40 : i32
    %scan3A_72 = arith.addi %scan3A_70, %scan3A_71 : i32
    %scan3A_73 = arith.constant 1 : i32
    %scan3A_74 = scf.for %scan3A_195 = %scan3A_70 to %scan3A_72 step %scan3A_73 iter_args(%scan3A_196 = %scan3A_69) -> (i32)  : i32 {
      %mul3A_197 = arith.constant 16 : i32
      %mul3A_198 = arith.muli %scan3A_195, %mul3A_197 : i32
      %get3A = arith.index_cast %mul3A_198 : i32 to index
      %get3A_199 = tpu.vector_load %arg6[%get3A] {strides = array<i32>} : memref<640xf32, #tpu.memory_space<vmem>>, vector<16xf32>,
      %get3A_200 = arith.index_cast %mul3A_198 : i32 to index
      %get3A_201 = tpu.vector_load %arg7[%get3A_200] {strides = array<i32>} : memref<640xf32, #tpu.memory_space<vmem>>, vector<16xf32>,
      %add3A_202 = arith.addf %get3A_199, %get3A_201 : vector<16xf32>
      %swap3A = arith.index_cast %mul3A_198 : i32 to index
      %swap3A_203 = tpu.vector_load %arg6[%swap3A] {strides = array<i32>} : memref<640xf32, #tpu.memory_space<vmem>>, vector<16xf32>,
      tpu.vector_store %arg6[%swap3A], %add3A_202 {strides = array<i32>} : memref<640xf32, #tpu.memory_space<vmem>>, vector<16xf32>,
      %scan3A_204 = arith.constant 0 : i32
      scf.yield %scan3A_204 : i32
    }
    %scan3A_75 = arith.constant 40 : i32
    %mul3A_76 = arith.constant 632 : i32
    %mul3A_77 = arith.muli %arg1, %mul3A_76 : i32
    %add3A_78 = arith.constant 60672 : i32
    %add3A_79 = arith.addi %add3A_78, %mul3A_77 : i32
    "tpu.region"() ({
      %run_scoped3A = tpu.sem_alloc : memref<!tpu.dma_semaphore, #tpu.memory_space<semaphore_mem>>
      %dma_start3A = arith.constant 0 : i32
      %dma_start3A_195 = tpu.memref_slice %arg7[%dma_start3A] : memref<640xf32, #tpu.memory_space<vmem>> -> memref<632xf32, #tpu.memory_space<vmem>>
      %dma_start3A_196 = tpu.memref_slice %arg4[%add3A_79] : memref<161792xf32, #tpu.memory_space<vmem_shared>> -> memref<632xf32, #tpu.memory_space<vmem_shared>>
      %dma_start3A_197 = arith.constant 0 : i32
      %dma_start3A_198 = tpu.memref_slice %arg7[%dma_start3A_197] : memref<640xf32, #tpu.memory_space<vmem>> -> memref<632xf32, #tpu.memory_space<vmem>>
      %dma_start3A_199 = tpu.memref_slice %arg4[%add3A_79] : memref<161792xf32, #tpu.memory_space<vmem_shared>> -> memref<632xf32, #tpu.memory_space<vmem_shared>>
      tpu.enqueue_dma source(%dma_start3A_199 : memref<632xf32, #tpu.memory_space<vmem_shared>>) target(%dma_start3A_198 : memref<632xf32, #tpu.memory_space<vmem>>) target_semaphore(%run_scoped3A : memref<!tpu.dma_semaphore, #tpu.memory_space<semaphore_mem>>)
      %dma_wait3A = arith.constant 0 : i32
      %dma_wait3A_200 = tpu.memref_slice %arg7[%dma_wait3A] : memref<640xf32, #tpu.memory_space<vmem>> -> memref<632xf32, #tpu.memory_space<vmem>>
      %dma_wait3A_201 = tpu.memref_slice %arg4[%add3A_79] : memref<161792xf32, #tpu.memory_space<vmem_shared>> -> memref<632xf32, #tpu.memory_space<vmem_shared>>
      %dma_wait3A_202 = arith.constant 0 : i32
      %dma_wait3A_203 = tpu.memref_slice %arg7[%dma_wait3A_202] : memref<640xf32, #tpu.memory_space<vmem>> -> memref<632xf32, #tpu.memory_space<vmem>>
      %dma_wait3A_204 = tpu.memref_slice %arg4[%add3A_79] : memref<161792xf32, #tpu.memory_space<vmem_shared>> -> memref<632xf32, #tpu.memory_space<vmem_shared>>
      tpu.wait_dma2 semaphore(%run_scoped3A : memref<!tpu.dma_semaphore, #tpu.memory_space<semaphore_mem>>) src(%dma_wait3A_204 : memref<632xf32, #tpu.memory_space<vmem_shared>>) dst(%dma_wait3A_203 : memref<632xf32, #tpu.memory_space<vmem>>)
      tpu.yield
    }) : () -> ()
    %scan3A_80 = arith.constant 0 : i32
    %scan3A_81 = arith.constant 0 : i32
    %scan3A_82 = arith.constant 40 : i32
    %scan3A_83 = arith.addi %scan3A_81, %scan3A_82 : i32
    %scan3A_84 = arith.constant 1 : i32
    %scan3A_85 = scf.for %scan3A_195 = %scan3A_81 to %scan3A_83 step %scan3A_84 iter_args(%scan3A_196 = %scan3A_80) -> (i32)  : i32 {
      %mul3A_197 = arith.constant 16 : i32
      %mul3A_198 = arith.muli %scan3A_195, %mul3A_197 : i32
      %get3A = arith.index_cast %mul3A_198 : i32 to index
      %get3A_199 = tpu.vector_load %arg6[%get3A] {strides = array<i32>} : memref<640xf32, #tpu.memory_space<vmem>>, vector<16xf32>,
      %get3A_200 = arith.index_cast %mul3A_198 : i32 to index
      %get3A_201 = tpu.vector_load %arg7[%get3A_200] {strides = array<i32>} : memref<640xf32, #tpu.memory_space<vmem>>, vector<16xf32>,
      %add3A_202 = arith.addf %get3A_199, %get3A_201 : vector<16xf32>
      %swap3A = arith.index_cast %mul3A_198 : i32 to index
      %swap3A_203 = tpu.vector_load %arg6[%swap3A] {strides = array<i32>} : memref<640xf32, #tpu.memory_space<vmem>>, vector<16xf32>,
      tpu.vector_store %arg6[%swap3A], %add3A_202 {strides = array<i32>} : memref<640xf32, #tpu.memory_space<vmem>>, vector<16xf32>,
      %scan3A_204 = arith.constant 0 : i32
      scf.yield %scan3A_204 : i32
    }
    %scan3A_86 = arith.constant 40 : i32
    %mul3A_87 = arith.constant 632 : i32
    %mul3A_88 = arith.muli %arg1, %mul3A_87 : i32
    %add3A_89 = arith.constant 70784 : i32
    %add3A_90 = arith.addi %add3A_89, %mul3A_88 : i32
    "tpu.region"() ({
      %run_scoped3A = tpu.sem_alloc : memref<!tpu.dma_semaphore, #tpu.memory_space<semaphore_mem>>
      %dma_start3A = arith.constant 0 : i32
      %dma_start3A_195 = tpu.memref_slice %arg7[%dma_start3A] : memref<640xf32, #tpu.memory_space<vmem>> -> memref<632xf32, #tpu.memory_space<vmem>>
      %dma_start3A_196 = tpu.memref_slice %arg4[%add3A_90] : memref<161792xf32, #tpu.memory_space<vmem_shared>> -> memref<632xf32, #tpu.memory_space<vmem_shared>>
      %dma_start3A_197 = arith.constant 0 : i32
      %dma_start3A_198 = tpu.memref_slice %arg7[%dma_start3A_197] : memref<640xf32, #tpu.memory_space<vmem>> -> memref<632xf32, #tpu.memory_space<vmem>>
      %dma_start3A_199 = tpu.memref_slice %arg4[%add3A_90] : memref<161792xf32, #tpu.memory_space<vmem_shared>> -> memref<632xf32, #tpu.memory_space<vmem_shared>>
      tpu.enqueue_dma source(%dma_start3A_199 : memref<632xf32, #tpu.memory_space<vmem_shared>>) target(%dma_start3A_198 : memref<632xf32, #tpu.memory_space<vmem>>) target_semaphore(%run_scoped3A : memref<!tpu.dma_semaphore, #tpu.memory_space<semaphore_mem>>)
      %dma_wait3A = arith.constant 0 : i32
      %dma_wait3A_200 = tpu.memref_slice %arg7[%dma_wait3A] : memref<640xf32, #tpu.memory_space<vmem>> -> memref<632xf32, #tpu.memory_space<vmem>>
      %dma_wait3A_201 = tpu.memref_slice %arg4[%add3A_90] : memref<161792xf32, #tpu.memory_space<vmem_shared>> -> memref<632xf32, #tpu.memory_space<vmem_shared>>
      %dma_wait3A_202 = arith.constant 0 : i32
      %dma_wait3A_203 = tpu.memref_slice %arg7[%dma_wait3A_202] : memref<640xf32, #tpu.memory_space<vmem>> -> memref<632xf32, #tpu.memory_space<vmem>>
      %dma_wait3A_204 = tpu.memref_slice %arg4[%add3A_90] : memref<161792xf32, #tpu.memory_space<vmem_shared>> -> memref<632xf32, #tpu.memory_space<vmem_shared>>
      tpu.wait_dma2 semaphore(%run_scoped3A : memref<!tpu.dma_semaphore, #tpu.memory_space<semaphore_mem>>) src(%dma_wait3A_204 : memref<632xf32, #tpu.memory_space<vmem_shared>>) dst(%dma_wait3A_203 : memref<632xf32, #tpu.memory_space<vmem>>)
      tpu.yield
    }) : () -> ()
    %scan3A_91 = arith.constant 0 : i32
    %scan3A_92 = arith.constant 0 : i32
    %scan3A_93 = arith.constant 40 : i32
    %scan3A_94 = arith.addi %scan3A_92, %scan3A_93 : i32
    %scan3A_95 = arith.constant 1 : i32
    %scan3A_96 = scf.for %scan3A_195 = %scan3A_92 to %scan3A_94 step %scan3A_95 iter_args(%scan3A_196 = %scan3A_91) -> (i32)  : i32 {
      %mul3A_197 = arith.constant 16 : i32
      %mul3A_198 = arith.muli %scan3A_195, %mul3A_197 : i32
      %get3A = arith.index_cast %mul3A_198 : i32 to index
      %get3A_199 = tpu.vector_load %arg6[%get3A] {strides = array<i32>} : memref<640xf32, #tpu.memory_space<vmem>>, vector<16xf32>,
      %get3A_200 = arith.index_cast %mul3A_198 : i32 to index
      %get3A_201 = tpu.vector_load %arg7[%get3A_200] {strides = array<i32>} : memref<640xf32, #tpu.memory_space<vmem>>, vector<16xf32>,
      %add3A_202 = arith.addf %get3A_199, %get3A_201 : vector<16xf32>
      %swap3A = arith.index_cast %mul3A_198 : i32 to index
      %swap3A_203 = tpu.vector_load %arg6[%swap3A] {strides = array<i32>} : memref<640xf32, #tpu.memory_space<vmem>>, vector<16xf32>,
      tpu.vector_store %arg6[%swap3A], %add3A_202 {strides = array<i32>} : memref<640xf32, #tpu.memory_space<vmem>>, vector<16xf32>,
      %scan3A_204 = arith.constant 0 : i32
      scf.yield %scan3A_204 : i32
    }
    %scan3A_97 = arith.constant 40 : i32
    %mul3A_98 = arith.constant 632 : i32
    %mul3A_99 = arith.muli %arg1, %mul3A_98 : i32
    %add3A_100 = arith.constant 80896 : i32
    %add3A_101 = arith.addi %add3A_100, %mul3A_99 : i32
    "tpu.region"() ({
      %run_scoped3A = tpu.sem_alloc : memref<!tpu.dma_semaphore, #tpu.memory_space<semaphore_mem>>
      %dma_start3A = arith.constant 0 : i32
      %dma_start3A_195 = tpu.memref_slice %arg7[%dma_start3A] : memref<640xf32, #tpu.memory_space<vmem>> -> memref<632xf32, #tpu.memory_space<vmem>>
      %dma_start3A_196 = tpu.memref_slice %arg4[%add3A_101] : memref<161792xf32, #tpu.memory_space<vmem_shared>> -> memref<632xf32, #tpu.memory_space<vmem_shared>>
      %dma_start3A_197 = arith.constant 0 : i32
      %dma_start3A_198 = tpu.memref_slice %arg7[%dma_start3A_197] : memref<640xf32, #tpu.memory_space<vmem>> -> memref<632xf32, #tpu.memory_space<vmem>>
      %dma_start3A_199 = tpu.memref_slice %arg4[%add3A_101] : memref<161792xf32, #tpu.memory_space<vmem_shared>> -> memref<632xf32, #tpu.memory_space<vmem_shared>>
      tpu.enqueue_dma source(%dma_start3A_199 : memref<632xf32, #tpu.memory_space<vmem_shared>>) target(%dma_start3A_198 : memref<632xf32, #tpu.memory_space<vmem>>) target_semaphore(%run_scoped3A : memref<!tpu.dma_semaphore, #tpu.memory_space<semaphore_mem>>)
      %dma_wait3A = arith.constant 0 : i32
      %dma_wait3A_200 = tpu.memref_slice %arg7[%dma_wait3A] : memref<640xf32, #tpu.memory_space<vmem>> -> memref<632xf32, #tpu.memory_space<vmem>>
      %dma_wait3A_201 = tpu.memref_slice %arg4[%add3A_101] : memref<161792xf32, #tpu.memory_space<vmem_shared>> -> memref<632xf32, #tpu.memory_space<vmem_shared>>
      %dma_wait3A_202 = arith.constant 0 : i32
      %dma_wait3A_203 = tpu.memref_slice %arg7[%dma_wait3A_202] : memref<640xf32, #tpu.memory_space<vmem>> -> memref<632xf32, #tpu.memory_space<vmem>>
      %dma_wait3A_204 = tpu.memref_slice %arg4[%add3A_101] : memref<161792xf32, #tpu.memory_space<vmem_shared>> -> memref<632xf32, #tpu.memory_space<vmem_shared>>
      tpu.wait_dma2 semaphore(%run_scoped3A : memref<!tpu.dma_semaphore, #tpu.memory_space<semaphore_mem>>) src(%dma_wait3A_204 : memref<632xf32, #tpu.memory_space<vmem_shared>>) dst(%dma_wait3A_203 : memref<632xf32, #tpu.memory_space<vmem>>)
      tpu.yield
    }) : () -> ()
    %scan3A_102 = arith.constant 0 : i32
    %scan3A_103 = arith.constant 0 : i32
    %scan3A_104 = arith.constant 40 : i32
    %scan3A_105 = arith.addi %scan3A_103, %scan3A_104 : i32
    %scan3A_106 = arith.constant 1 : i32
    %scan3A_107 = scf.for %scan3A_195 = %scan3A_103 to %scan3A_105 step %scan3A_106 iter_args(%scan3A_196 = %scan3A_102) -> (i32)  : i32 {
      %mul3A_197 = arith.constant 16 : i32
      %mul3A_198 = arith.muli %scan3A_195, %mul3A_197 : i32
      %get3A = arith.index_cast %mul3A_198 : i32 to index
      %get3A_199 = tpu.vector_load %arg6[%get3A] {strides = array<i32>} : memref<640xf32, #tpu.memory_space<vmem>>, vector<16xf32>,
      %get3A_200 = arith.index_cast %mul3A_198 : i32 to index
      %get3A_201 = tpu.vector_load %arg7[%get3A_200] {strides = array<i32>} : memref<640xf32, #tpu.memory_space<vmem>>, vector<16xf32>,
      %add3A_202 = arith.addf %get3A_199, %get3A_201 : vector<16xf32>
      %swap3A = arith.index_cast %mul3A_198 : i32 to index
      %swap3A_203 = tpu.vector_load %arg6[%swap3A] {strides = array<i32>} : memref<640xf32, #tpu.memory_space<vmem>>, vector<16xf32>,
      tpu.vector_store %arg6[%swap3A], %add3A_202 {strides = array<i32>} : memref<640xf32, #tpu.memory_space<vmem>>, vector<16xf32>,
      %scan3A_204 = arith.constant 0 : i32
      scf.yield %scan3A_204 : i32
    }
    %scan3A_108 = arith.constant 40 : i32
    %mul3A_109 = arith.constant 632 : i32
    %mul3A_110 = arith.muli %arg1, %mul3A_109 : i32
    %add3A_111 = arith.constant 91008 : i32
    %add3A_112 = arith.addi %add3A_111, %mul3A_110 : i32
    "tpu.region"() ({
      %run_scoped3A = tpu.sem_alloc : memref<!tpu.dma_semaphore, #tpu.memory_space<semaphore_mem>>
      %dma_start3A = arith.constant 0 : i32
      %dma_start3A_195 = tpu.memref_slice %arg7[%dma_start3A] : memref<640xf32, #tpu.memory_space<vmem>> -> memref<632xf32, #tpu.memory_space<vmem>>
      %dma_start3A_196 = tpu.memref_slice %arg4[%add3A_112] : memref<161792xf32, #tpu.memory_space<vmem_shared>> -> memref<632xf32, #tpu.memory_space<vmem_shared>>
      %dma_start3A_197 = arith.constant 0 : i32
      %dma_start3A_198 = tpu.memref_slice %arg7[%dma_start3A_197] : memref<640xf32, #tpu.memory_space<vmem>> -> memref<632xf32, #tpu.memory_space<vmem>>
      %dma_start3A_199 = tpu.memref_slice %arg4[%add3A_112] : memref<161792xf32, #tpu.memory_space<vmem_shared>> -> memref<632xf32, #tpu.memory_space<vmem_shared>>
      tpu.enqueue_dma source(%dma_start3A_199 : memref<632xf32, #tpu.memory_space<vmem_shared>>) target(%dma_start3A_198 : memref<632xf32, #tpu.memory_space<vmem>>) target_semaphore(%run_scoped3A : memref<!tpu.dma_semaphore, #tpu.memory_space<semaphore_mem>>)
      %dma_wait3A = arith.constant 0 : i32
      %dma_wait3A_200 = tpu.memref_slice %arg7[%dma_wait3A] : memref<640xf32, #tpu.memory_space<vmem>> -> memref<632xf32, #tpu.memory_space<vmem>>
      %dma_wait3A_201 = tpu.memref_slice %arg4[%add3A_112] : memref<161792xf32, #tpu.memory_space<vmem_shared>> -> memref<632xf32, #tpu.memory_space<vmem_shared>>
      %dma_wait3A_202 = arith.constant 0 : i32
      %dma_wait3A_203 = tpu.memref_slice %arg7[%dma_wait3A_202] : memref<640xf32, #tpu.memory_space<vmem>> -> memref<632xf32, #tpu.memory_space<vmem>>
      %dma_wait3A_204 = tpu.memref_slice %arg4[%add3A_112] : memref<161792xf32, #tpu.memory_space<vmem_shared>> -> memref<632xf32, #tpu.memory_space<vmem_shared>>
      tpu.wait_dma2 semaphore(%run_scoped3A : memref<!tpu.dma_semaphore, #tpu.memory_space<semaphore_mem>>) src(%dma_wait3A_204 : memref<632xf32, #tpu.memory_space<vmem_shared>>) dst(%dma_wait3A_203 : memref<632xf32, #tpu.memory_space<vmem>>)
      tpu.yield
    }) : () -> ()
    %scan3A_113 = arith.constant 0 : i32
    %scan3A_114 = arith.constant 0 : i32
    %scan3A_115 = arith.constant 40 : i32
    %scan3A_116 = arith.addi %scan3A_114, %scan3A_115 : i32
    %scan3A_117 = arith.constant 1 : i32
    %scan3A_118 = scf.for %scan3A_195 = %scan3A_114 to %scan3A_116 step %scan3A_117 iter_args(%scan3A_196 = %scan3A_113) -> (i32)  : i32 {
      %mul3A_197 = arith.constant 16 : i32
      %mul3A_198 = arith.muli %scan3A_195, %mul3A_197 : i32
      %get3A = arith.index_cast %mul3A_198 : i32 to index
      %get3A_199 = tpu.vector_load %arg6[%get3A] {strides = array<i32>} : memref<640xf32, #tpu.memory_space<vmem>>, vector<16xf32>,
      %get3A_200 = arith.index_cast %mul3A_198 : i32 to index
      %get3A_201 = tpu.vector_load %arg7[%get3A_200] {strides = array<i32>} : memref<640xf32, #tpu.memory_space<vmem>>, vector<16xf32>,
      %add3A_202 = arith.addf %get3A_199, %get3A_201 : vector<16xf32>
      %swap3A = arith.index_cast %mul3A_198 : i32 to index
      %swap3A_203 = tpu.vector_load %arg6[%swap3A] {strides = array<i32>} : memref<640xf32, #tpu.memory_space<vmem>>, vector<16xf32>,
      tpu.vector_store %arg6[%swap3A], %add3A_202 {strides = array<i32>} : memref<640xf32, #tpu.memory_space<vmem>>, vector<16xf32>,
      %scan3A_204 = arith.constant 0 : i32
      scf.yield %scan3A_204 : i32
    }
    %scan3A_119 = arith.constant 40 : i32
    %mul3A_120 = arith.constant 632 : i32
    %mul3A_121 = arith.muli %arg1, %mul3A_120 : i32
    %add3A_122 = arith.constant 101120 : i32
    %add3A_123 = arith.addi %add3A_122, %mul3A_121 : i32
    "tpu.region"() ({
      %run_scoped3A = tpu.sem_alloc : memref<!tpu.dma_semaphore, #tpu.memory_space<semaphore_mem>>
      %dma_start3A = arith.constant 0 : i32
      %dma_start3A_195 = tpu.memref_slice %arg7[%dma_start3A] : memref<640xf32, #tpu.memory_space<vmem>> -> memref<632xf32, #tpu.memory_space<vmem>>
      %dma_start3A_196 = tpu.memref_slice %arg4[%add3A_123] : memref<161792xf32, #tpu.memory_space<vmem_shared>> -> memref<632xf32, #tpu.memory_space<vmem_shared>>
      %dma_start3A_197 = arith.constant 0 : i32
      %dma_start3A_198 = tpu.memref_slice %arg7[%dma_start3A_197] : memref<640xf32, #tpu.memory_space<vmem>> -> memref<632xf32, #tpu.memory_space<vmem>>
      %dma_start3A_199 = tpu.memref_slice %arg4[%add3A_123] : memref<161792xf32, #tpu.memory_space<vmem_shared>> -> memref<632xf32, #tpu.memory_space<vmem_shared>>
      tpu.enqueue_dma source(%dma_start3A_199 : memref<632xf32, #tpu.memory_space<vmem_shared>>) target(%dma_start3A_198 : memref<632xf32, #tpu.memory_space<vmem>>) target_semaphore(%run_scoped3A : memref<!tpu.dma_semaphore, #tpu.memory_space<semaphore_mem>>)
      %dma_wait3A = arith.constant 0 : i32
      %dma_wait3A_200 = tpu.memref_slice %arg7[%dma_wait3A] : memref<640xf32, #tpu.memory_space<vmem>> -> memref<632xf32, #tpu.memory_space<vmem>>
      %dma_wait3A_201 = tpu.memref_slice %arg4[%add3A_123] : memref<161792xf32, #tpu.memory_space<vmem_shared>> -> memref<632xf32, #tpu.memory_space<vmem_shared>>
      %dma_wait3A_202 = arith.constant 0 : i32
      %dma_wait3A_203 = tpu.memref_slice %arg7[%dma_wait3A_202] : memref<640xf32, #tpu.memory_space<vmem>> -> memref<632xf32, #tpu.memory_space<vmem>>
      %dma_wait3A_204 = tpu.memref_slice %arg4[%add3A_123] : memref<161792xf32, #tpu.memory_space<vmem_shared>> -> memref<632xf32, #tpu.memory_space<vmem_shared>>
      tpu.wait_dma2 semaphore(%run_scoped3A : memref<!tpu.dma_semaphore, #tpu.memory_space<semaphore_mem>>) src(%dma_wait3A_204 : memref<632xf32, #tpu.memory_space<vmem_shared>>) dst(%dma_wait3A_203 : memref<632xf32, #tpu.memory_space<vmem>>)
      tpu.yield
    }) : () -> ()
    %scan3A_124 = arith.constant 0 : i32
    %scan3A_125 = arith.constant 0 : i32
    %scan3A_126 = arith.constant 40 : i32
    %scan3A_127 = arith.addi %scan3A_125, %scan3A_126 : i32
    %scan3A_128 = arith.constant 1 : i32
    %scan3A_129 = scf.for %scan3A_195 = %scan3A_125 to %scan3A_127 step %scan3A_128 iter_args(%scan3A_196 = %scan3A_124) -> (i32)  : i32 {
      %mul3A_197 = arith.constant 16 : i32
      %mul3A_198 = arith.muli %scan3A_195, %mul3A_197 : i32
      %get3A = arith.index_cast %mul3A_198 : i32 to index
      %get3A_199 = tpu.vector_load %arg6[%get3A] {strides = array<i32>} : memref<640xf32, #tpu.memory_space<vmem>>, vector<16xf32>,
      %get3A_200 = arith.index_cast %mul3A_198 : i32 to index
      %get3A_201 = tpu.vector_load %arg7[%get3A_200] {strides = array<i32>} : memref<640xf32, #tpu.memory_space<vmem>>, vector<16xf32>,
      %add3A_202 = arith.addf %get3A_199, %get3A_201 : vector<16xf32>
      %swap3A = arith.index_cast %mul3A_198 : i32 to index
      %swap3A_203 = tpu.vector_load %arg6[%swap3A] {strides = array<i32>} : memref<640xf32, #tpu.memory_space<vmem>>, vector<16xf32>,
      tpu.vector_store %arg6[%swap3A], %add3A_202 {strides = array<i32>} : memref<640xf32, #tpu.memory_space<vmem>>, vector<16xf32>,
      %scan3A_204 = arith.constant 0 : i32
      scf.yield %scan3A_204 : i32
    }
    %scan3A_130 = arith.constant 40 : i32
    %mul3A_131 = arith.constant 632 : i32
    %mul3A_132 = arith.muli %arg1, %mul3A_131 : i32
    %add3A_133 = arith.constant 111232 : i32
    %add3A_134 = arith.addi %add3A_133, %mul3A_132 : i32
    "tpu.region"() ({
      %run_scoped3A = tpu.sem_alloc : memref<!tpu.dma_semaphore, #tpu.memory_space<semaphore_mem>>
      %dma_start3A = arith.constant 0 : i32
      %dma_start3A_195 = tpu.memref_slice %arg7[%dma_start3A] : memref<640xf32, #tpu.memory_space<vmem>> -> memref<632xf32, #tpu.memory_space<vmem>>
      %dma_start3A_196 = tpu.memref_slice %arg4[%add3A_134] : memref<161792xf32, #tpu.memory_space<vmem_shared>> -> memref<632xf32, #tpu.memory_space<vmem_shared>>
      %dma_start3A_197 = arith.constant 0 : i32
      %dma_start3A_198 = tpu.memref_slice %arg7[%dma_start3A_197] : memref<640xf32, #tpu.memory_space<vmem>> -> memref<632xf32, #tpu.memory_space<vmem>>
      %dma_start3A_199 = tpu.memref_slice %arg4[%add3A_134] : memref<161792xf32, #tpu.memory_space<vmem_shared>> -> memref<632xf32, #tpu.memory_space<vmem_shared>>
      tpu.enqueue_dma source(%dma_start3A_199 : memref<632xf32, #tpu.memory_space<vmem_shared>>) target(%dma_start3A_198 : memref<632xf32, #tpu.memory_space<vmem>>) target_semaphore(%run_scoped3A : memref<!tpu.dma_semaphore, #tpu.memory_space<semaphore_mem>>)
      %dma_wait3A = arith.constant 0 : i32
      %dma_wait3A_200 = tpu.memref_slice %arg7[%dma_wait3A] : memref<640xf32, #tpu.memory_space<vmem>> -> memref<632xf32, #tpu.memory_space<vmem>>
      %dma_wait3A_201 = tpu.memref_slice %arg4[%add3A_134] : memref<161792xf32, #tpu.memory_space<vmem_shared>> -> memref<632xf32, #tpu.memory_space<vmem_shared>>
      %dma_wait3A_202 = arith.constant 0 : i32
      %dma_wait3A_203 = tpu.memref_slice %arg7[%dma_wait3A_202] : memref<640xf32, #tpu.memory_space<vmem>> -> memref<632xf32, #tpu.memory_space<vmem>>
      %dma_wait3A_204 = tpu.memref_slice %arg4[%add3A_134] : memref<161792xf32, #tpu.memory_space<vmem_shared>> -> memref<632xf32, #tpu.memory_space<vmem_shared>>
      tpu.wait_dma2 semaphore(%run_scoped3A : memref<!tpu.dma_semaphore, #tpu.memory_space<semaphore_mem>>) src(%dma_wait3A_204 : memref<632xf32, #tpu.memory_space<vmem_shared>>) dst(%dma_wait3A_203 : memref<632xf32, #tpu.memory_space<vmem>>)
      tpu.yield
    }) : () -> ()
    %scan3A_135 = arith.constant 0 : i32
    %scan3A_136 = arith.constant 0 : i32
    %scan3A_137 = arith.constant 40 : i32
    %scan3A_138 = arith.addi %scan3A_136, %scan3A_137 : i32
    %scan3A_139 = arith.constant 1 : i32
    %scan3A_140 = scf.for %scan3A_195 = %scan3A_136 to %scan3A_138 step %scan3A_139 iter_args(%scan3A_196 = %scan3A_135) -> (i32)  : i32 {
      %mul3A_197 = arith.constant 16 : i32
      %mul3A_198 = arith.muli %scan3A_195, %mul3A_197 : i32
      %get3A = arith.index_cast %mul3A_198 : i32 to index
      %get3A_199 = tpu.vector_load %arg6[%get3A] {strides = array<i32>} : memref<640xf32, #tpu.memory_space<vmem>>, vector<16xf32>,
      %get3A_200 = arith.index_cast %mul3A_198 : i32 to index
      %get3A_201 = tpu.vector_load %arg7[%get3A_200] {strides = array<i32>} : memref<640xf32, #tpu.memory_space<vmem>>, vector<16xf32>,
      %add3A_202 = arith.addf %get3A_199, %get3A_201 : vector<16xf32>
      %swap3A = arith.index_cast %mul3A_198 : i32 to index
      %swap3A_203 = tpu.vector_load %arg6[%swap3A] {strides = array<i32>} : memref<640xf32, #tpu.memory_space<vmem>>, vector<16xf32>,
      tpu.vector_store %arg6[%swap3A], %add3A_202 {strides = array<i32>} : memref<640xf32, #tpu.memory_space<vmem>>, vector<16xf32>,
      %scan3A_204 = arith.constant 0 : i32
      scf.yield %scan3A_204 : i32
    }
    %scan3A_141 = arith.constant 40 : i32
    %mul3A_142 = arith.constant 632 : i32
    %mul3A_143 = arith.muli %arg1, %mul3A_142 : i32
    %add3A_144 = arith.constant 121344 : i32
    %add3A_145 = arith.addi %add3A_144, %mul3A_143 : i32
    "tpu.region"() ({
      %run_scoped3A = tpu.sem_alloc : memref<!tpu.dma_semaphore, #tpu.memory_space<semaphore_mem>>
      %dma_start3A = arith.constant 0 : i32
      %dma_start3A_195 = tpu.memref_slice %arg7[%dma_start3A] : memref<640xf32, #tpu.memory_space<vmem>> -> memref<632xf32, #tpu.memory_space<vmem>>
      %dma_start3A_196 = tpu.memref_slice %arg4[%add3A_145] : memref<161792xf32, #tpu.memory_space<vmem_shared>> -> memref<632xf32, #tpu.memory_space<vmem_shared>>
      %dma_start3A_197 = arith.constant 0 : i32
      %dma_start3A_198 = tpu.memref_slice %arg7[%dma_start3A_197] : memref<640xf32, #tpu.memory_space<vmem>> -> memref<632xf32, #tpu.memory_space<vmem>>
      %dma_start3A_199 = tpu.memref_slice %arg4[%add3A_145] : memref<161792xf32, #tpu.memory_space<vmem_shared>> -> memref<632xf32, #tpu.memory_space<vmem_shared>>
      tpu.enqueue_dma source(%dma_start3A_199 : memref<632xf32, #tpu.memory_space<vmem_shared>>) target(%dma_start3A_198 : memref<632xf32, #tpu.memory_space<vmem>>) target_semaphore(%run_scoped3A : memref<!tpu.dma_semaphore, #tpu.memory_space<semaphore_mem>>)
      %dma_wait3A = arith.constant 0 : i32
      %dma_wait3A_200 = tpu.memref_slice %arg7[%dma_wait3A] : memref<640xf32, #tpu.memory_space<vmem>> -> memref<632xf32, #tpu.memory_space<vmem>>
      %dma_wait3A_201 = tpu.memref_slice %arg4[%add3A_145] : memref<161792xf32, #tpu.memory_space<vmem_shared>> -> memref<632xf32, #tpu.memory_space<vmem_shared>>
      %dma_wait3A_202 = arith.constant 0 : i32
      %dma_wait3A_203 = tpu.memref_slice %arg7[%dma_wait3A_202] : memref<640xf32, #tpu.memory_space<vmem>> -> memref<632xf32, #tpu.memory_space<vmem>>
      %dma_wait3A_204 = tpu.memref_slice %arg4[%add3A_145] : memref<161792xf32, #tpu.memory_space<vmem_shared>> -> memref<632xf32, #tpu.memory_space<vmem_shared>>
      tpu.wait_dma2 semaphore(%run_scoped3A : memref<!tpu.dma_semaphore, #tpu.memory_space<semaphore_mem>>) src(%dma_wait3A_204 : memref<632xf32, #tpu.memory_space<vmem_shared>>) dst(%dma_wait3A_203 : memref<632xf32, #tpu.memory_space<vmem>>)
      tpu.yield
    }) : () -> ()
    %scan3A_146 = arith.constant 0 : i32
    %scan3A_147 = arith.constant 0 : i32
    %scan3A_148 = arith.constant 40 : i32
    %scan3A_149 = arith.addi %scan3A_147, %scan3A_148 : i32
    %scan3A_150 = arith.constant 1 : i32
    %scan3A_151 = scf.for %scan3A_195 = %scan3A_147 to %scan3A_149 step %scan3A_150 iter_args(%scan3A_196 = %scan3A_146) -> (i32)  : i32 {
      %mul3A_197 = arith.constant 16 : i32
      %mul3A_198 = arith.muli %scan3A_195, %mul3A_197 : i32
      %get3A = arith.index_cast %mul3A_198 : i32 to index
      %get3A_199 = tpu.vector_load %arg6[%get3A] {strides = array<i32>} : memref<640xf32, #tpu.memory_space<vmem>>, vector<16xf32>,
      %get3A_200 = arith.index_cast %mul3A_198 : i32 to index
      %get3A_201 = tpu.vector_load %arg7[%get3A_200] {strides = array<i32>} : memref<640xf32, #tpu.memory_space<vmem>>, vector<16xf32>,
      %add3A_202 = arith.addf %get3A_199, %get3A_201 : vector<16xf32>
      %swap3A = arith.index_cast %mul3A_198 : i32 to index
      %swap3A_203 = tpu.vector_load %arg6[%swap3A] {strides = array<i32>} : memref<640xf32, #tpu.memory_space<vmem>>, vector<16xf32>,
      tpu.vector_store %arg6[%swap3A], %add3A_202 {strides = array<i32>} : memref<640xf32, #tpu.memory_space<vmem>>, vector<16xf32>,
      %scan3A_204 = arith.constant 0 : i32
      scf.yield %scan3A_204 : i32
    }
    %scan3A_152 = arith.constant 40 : i32
    %mul3A_153 = arith.constant 632 : i32
    %mul3A_154 = arith.muli %arg1, %mul3A_153 : i32
    %add3A_155 = arith.constant 131456 : i32
    %add3A_156 = arith.addi %add3A_155, %mul3A_154 : i32
    "tpu.region"() ({
      %run_scoped3A = tpu.sem_alloc : memref<!tpu.dma_semaphore, #tpu.memory_space<semaphore_mem>>
      %dma_start3A = arith.constant 0 : i32
      %dma_start3A_195 = tpu.memref_slice %arg7[%dma_start3A] : memref<640xf32, #tpu.memory_space<vmem>> -> memref<632xf32, #tpu.memory_space<vmem>>
      %dma_start3A_196 = tpu.memref_slice %arg4[%add3A_156] : memref<161792xf32, #tpu.memory_space<vmem_shared>> -> memref<632xf32, #tpu.memory_space<vmem_shared>>
      %dma_start3A_197 = arith.constant 0 : i32
      %dma_start3A_198 = tpu.memref_slice %arg7[%dma_start3A_197] : memref<640xf32, #tpu.memory_space<vmem>> -> memref<632xf32, #tpu.memory_space<vmem>>
      %dma_start3A_199 = tpu.memref_slice %arg4[%add3A_156] : memref<161792xf32, #tpu.memory_space<vmem_shared>> -> memref<632xf32, #tpu.memory_space<vmem_shared>>
      tpu.enqueue_dma source(%dma_start3A_199 : memref<632xf32, #tpu.memory_space<vmem_shared>>) target(%dma_start3A_198 : memref<632xf32, #tpu.memory_space<vmem>>) target_semaphore(%run_scoped3A : memref<!tpu.dma_semaphore, #tpu.memory_space<semaphore_mem>>)
      %dma_wait3A = arith.constant 0 : i32
      %dma_wait3A_200 = tpu.memref_slice %arg7[%dma_wait3A] : memref<640xf32, #tpu.memory_space<vmem>> -> memref<632xf32, #tpu.memory_space<vmem>>
      %dma_wait3A_201 = tpu.memref_slice %arg4[%add3A_156] : memref<161792xf32, #tpu.memory_space<vmem_shared>> -> memref<632xf32, #tpu.memory_space<vmem_shared>>
      %dma_wait3A_202 = arith.constant 0 : i32
      %dma_wait3A_203 = tpu.memref_slice %arg7[%dma_wait3A_202] : memref<640xf32, #tpu.memory_space<vmem>> -> memref<632xf32, #tpu.memory_space<vmem>>
      %dma_wait3A_204 = tpu.memref_slice %arg4[%add3A_156] : memref<161792xf32, #tpu.memory_space<vmem_shared>> -> memref<632xf32, #tpu.memory_space<vmem_shared>>
      tpu.wait_dma2 semaphore(%run_scoped3A : memref<!tpu.dma_semaphore, #tpu.memory_space<semaphore_mem>>) src(%dma_wait3A_204 : memref<632xf32, #tpu.memory_space<vmem_shared>>) dst(%dma_wait3A_203 : memref<632xf32, #tpu.memory_space<vmem>>)
      tpu.yield
    }) : () -> ()
    %scan3A_157 = arith.constant 0 : i32
    %scan3A_158 = arith.constant 0 : i32
    %scan3A_159 = arith.constant 40 : i32
    %scan3A_160 = arith.addi %scan3A_158, %scan3A_159 : i32
    %scan3A_161 = arith.constant 1 : i32
    %scan3A_162 = scf.for %scan3A_195 = %scan3A_158 to %scan3A_160 step %scan3A_161 iter_args(%scan3A_196 = %scan3A_157) -> (i32)  : i32 {
      %mul3A_197 = arith.constant 16 : i32
      %mul3A_198 = arith.muli %scan3A_195, %mul3A_197 : i32
      %get3A = arith.index_cast %mul3A_198 : i32 to index
      %get3A_199 = tpu.vector_load %arg6[%get3A] {strides = array<i32>} : memref<640xf32, #tpu.memory_space<vmem>>, vector<16xf32>,
      %get3A_200 = arith.index_cast %mul3A_198 : i32 to index
      %get3A_201 = tpu.vector_load %arg7[%get3A_200] {strides = array<i32>} : memref<640xf32, #tpu.memory_space<vmem>>, vector<16xf32>,
      %add3A_202 = arith.addf %get3A_199, %get3A_201 : vector<16xf32>
      %swap3A = arith.index_cast %mul3A_198 : i32 to index
      %swap3A_203 = tpu.vector_load %arg6[%swap3A] {strides = array<i32>} : memref<640xf32, #tpu.memory_space<vmem>>, vector<16xf32>,
      tpu.vector_store %arg6[%swap3A], %add3A_202 {strides = array<i32>} : memref<640xf32, #tpu.memory_space<vmem>>, vector<16xf32>,
      %scan3A_204 = arith.constant 0 : i32
      scf.yield %scan3A_204 : i32
    }
    %scan3A_163 = arith.constant 40 : i32
    %mul3A_164 = arith.constant 632 : i32
    %mul3A_165 = arith.muli %arg1, %mul3A_164 : i32
    %add3A_166 = arith.constant 141568 : i32
    %add3A_167 = arith.addi %add3A_166, %mul3A_165 : i32
    "tpu.region"() ({
      %run_scoped3A = tpu.sem_alloc : memref<!tpu.dma_semaphore, #tpu.memory_space<semaphore_mem>>
      %dma_start3A = arith.constant 0 : i32
      %dma_start3A_195 = tpu.memref_slice %arg7[%dma_start3A] : memref<640xf32, #tpu.memory_space<vmem>> -> memref<632xf32, #tpu.memory_space<vmem>>
      %dma_start3A_196 = tpu.memref_slice %arg4[%add3A_167] : memref<161792xf32, #tpu.memory_space<vmem_shared>> -> memref<632xf32, #tpu.memory_space<vmem_shared>>
      %dma_start3A_197 = arith.constant 0 : i32
      %dma_start3A_198 = tpu.memref_slice %arg7[%dma_start3A_197] : memref<640xf32, #tpu.memory_space<vmem>> -> memref<632xf32, #tpu.memory_space<vmem>>
      %dma_start3A_199 = tpu.memref_slice %arg4[%add3A_167] : memref<161792xf32, #tpu.memory_space<vmem_shared>> -> memref<632xf32, #tpu.memory_space<vmem_shared>>
      tpu.enqueue_dma source(%dma_start3A_199 : memref<632xf32, #tpu.memory_space<vmem_shared>>) target(%dma_start3A_198 : memref<632xf32, #tpu.memory_space<vmem>>) target_semaphore(%run_scoped3A : memref<!tpu.dma_semaphore, #tpu.memory_space<semaphore_mem>>)
      %dma_wait3A = arith.constant 0 : i32
      %dma_wait3A_200 = tpu.memref_slice %arg7[%dma_wait3A] : memref<640xf32, #tpu.memory_space<vmem>> -> memref<632xf32, #tpu.memory_space<vmem>>
      %dma_wait3A_201 = tpu.memref_slice %arg4[%add3A_167] : memref<161792xf32, #tpu.memory_space<vmem_shared>> -> memref<632xf32, #tpu.memory_space<vmem_shared>>
      %dma_wait3A_202 = arith.constant 0 : i32
      %dma_wait3A_203 = tpu.memref_slice %arg7[%dma_wait3A_202] : memref<640xf32, #tpu.memory_space<vmem>> -> memref<632xf32, #tpu.memory_space<vmem>>
      %dma_wait3A_204 = tpu.memref_slice %arg4[%add3A_167] : memref<161792xf32, #tpu.memory_space<vmem_shared>> -> memref<632xf32, #tpu.memory_space<vmem_shared>>
      tpu.wait_dma2 semaphore(%run_scoped3A : memref<!tpu.dma_semaphore, #tpu.memory_space<semaphore_mem>>) src(%dma_wait3A_204 : memref<632xf32, #tpu.memory_space<vmem_shared>>) dst(%dma_wait3A_203 : memref<632xf32, #tpu.memory_space<vmem>>)
      tpu.yield
    }) : () -> ()
    %scan3A_168 = arith.constant 0 : i32
    %scan3A_169 = arith.constant 0 : i32
    %scan3A_170 = arith.constant 40 : i32
    %scan3A_171 = arith.addi %scan3A_169, %scan3A_170 : i32
    %scan3A_172 = arith.constant 1 : i32
    %scan3A_173 = scf.for %scan3A_195 = %scan3A_169 to %scan3A_171 step %scan3A_172 iter_args(%scan3A_196 = %scan3A_168) -> (i32)  : i32 {
      %mul3A_197 = arith.constant 16 : i32
      %mul3A_198 = arith.muli %scan3A_195, %mul3A_197 : i32
      %get3A = arith.index_cast %mul3A_198 : i32 to index
      %get3A_199 = tpu.vector_load %arg6[%get3A] {strides = array<i32>} : memref<640xf32, #tpu.memory_space<vmem>>, vector<16xf32>,
      %get3A_200 = arith.index_cast %mul3A_198 : i32 to index
      %get3A_201 = tpu.vector_load %arg7[%get3A_200] {strides = array<i32>} : memref<640xf32, #tpu.memory_space<vmem>>, vector<16xf32>,
      %add3A_202 = arith.addf %get3A_199, %get3A_201 : vector<16xf32>
      %swap3A = arith.index_cast %mul3A_198 : i32 to index
      %swap3A_203 = tpu.vector_load %arg6[%swap3A] {strides = array<i32>} : memref<640xf32, #tpu.memory_space<vmem>>, vector<16xf32>,
      tpu.vector_store %arg6[%swap3A], %add3A_202 {strides = array<i32>} : memref<640xf32, #tpu.memory_space<vmem>>, vector<16xf32>,
      %scan3A_204 = arith.constant 0 : i32
      scf.yield %scan3A_204 : i32
    }
    %scan3A_174 = arith.constant 40 : i32
    %mul3A_175 = arith.constant 632 : i32
    %mul3A_176 = arith.muli %arg1, %mul3A_175 : i32
    %add3A_177 = arith.constant 151680 : i32
    %add3A_178 = arith.addi %add3A_177, %mul3A_176 : i32
    "tpu.region"() ({
      %run_scoped3A = tpu.sem_alloc : memref<!tpu.dma_semaphore, #tpu.memory_space<semaphore_mem>>
      %dma_start3A = arith.constant 0 : i32
      %dma_start3A_195 = tpu.memref_slice %arg7[%dma_start3A] : memref<640xf32, #tpu.memory_space<vmem>> -> memref<632xf32, #tpu.memory_space<vmem>>
      %dma_start3A_196 = tpu.memref_slice %arg4[%add3A_178] : memref<161792xf32, #tpu.memory_space<vmem_shared>> -> memref<632xf32, #tpu.memory_space<vmem_shared>>
      %dma_start3A_197 = arith.constant 0 : i32
      %dma_start3A_198 = tpu.memref_slice %arg7[%dma_start3A_197] : memref<640xf32, #tpu.memory_space<vmem>> -> memref<632xf32, #tpu.memory_space<vmem>>
      %dma_start3A_199 = tpu.memref_slice %arg4[%add3A_178] : memref<161792xf32, #tpu.memory_space<vmem_shared>> -> memref<632xf32, #tpu.memory_space<vmem_shared>>
      tpu.enqueue_dma source(%dma_start3A_199 : memref<632xf32, #tpu.memory_space<vmem_shared>>) target(%dma_start3A_198 : memref<632xf32, #tpu.memory_space<vmem>>) target_semaphore(%run_scoped3A : memref<!tpu.dma_semaphore, #tpu.memory_space<semaphore_mem>>)
      %dma_wait3A = arith.constant 0 : i32
      %dma_wait3A_200 = tpu.memref_slice %arg7[%dma_wait3A] : memref<640xf32, #tpu.memory_space<vmem>> -> memref<632xf32, #tpu.memory_space<vmem>>
      %dma_wait3A_201 = tpu.memref_slice %arg4[%add3A_178] : memref<161792xf32, #tpu.memory_space<vmem_shared>> -> memref<632xf32, #tpu.memory_space<vmem_shared>>
      %dma_wait3A_202 = arith.constant 0 : i32
      %dma_wait3A_203 = tpu.memref_slice %arg7[%dma_wait3A_202] : memref<640xf32, #tpu.memory_space<vmem>> -> memref<632xf32, #tpu.memory_space<vmem>>
      %dma_wait3A_204 = tpu.memref_slice %arg4[%add3A_178] : memref<161792xf32, #tpu.memory_space<vmem_shared>> -> memref<632xf32, #tpu.memory_space<vmem_shared>>
      tpu.wait_dma2 semaphore(%run_scoped3A : memref<!tpu.dma_semaphore, #tpu.memory_space<semaphore_mem>>) src(%dma_wait3A_204 : memref<632xf32, #tpu.memory_space<vmem_shared>>) dst(%dma_wait3A_203 : memref<632xf32, #tpu.memory_space<vmem>>)
      tpu.yield
    }) : () -> ()
    %scan3A_179 = arith.constant 0 : i32
    %scan3A_180 = arith.constant 0 : i32
    %scan3A_181 = arith.constant 40 : i32
    %scan3A_182 = arith.addi %scan3A_180, %scan3A_181 : i32
    %scan3A_183 = arith.constant 1 : i32
    %scan3A_184 = scf.for %scan3A_195 = %scan3A_180 to %scan3A_182 step %scan3A_183 iter_args(%scan3A_196 = %scan3A_179) -> (i32)  : i32 {
      %mul3A_197 = arith.constant 16 : i32
      %mul3A_198 = arith.muli %scan3A_195, %mul3A_197 : i32
      %get3A = arith.index_cast %mul3A_198 : i32 to index
      %get3A_199 = tpu.vector_load %arg6[%get3A] {strides = array<i32>} : memref<640xf32, #tpu.memory_space<vmem>>, vector<16xf32>,
      %get3A_200 = arith.index_cast %mul3A_198 : i32 to index
      %get3A_201 = tpu.vector_load %arg7[%get3A_200] {strides = array<i32>} : memref<640xf32, #tpu.memory_space<vmem>>, vector<16xf32>,
      %add3A_202 = arith.addf %get3A_199, %get3A_201 : vector<16xf32>
      %swap3A = arith.index_cast %mul3A_198 : i32 to index
      %swap3A_203 = tpu.vector_load %arg6[%swap3A] {strides = array<i32>} : memref<640xf32, #tpu.memory_space<vmem>>, vector<16xf32>,
      tpu.vector_store %arg6[%swap3A], %add3A_202 {strides = array<i32>} : memref<640xf32, #tpu.memory_space<vmem>>, vector<16xf32>,
      %scan3A_204 = arith.constant 0 : i32
      scf.yield %scan3A_204 : i32
    }
    %scan3A_185 = arith.constant 40 : i32
    %scan3A_186 = arith.constant 0 : i32
    %scan3A_187 = arith.constant 0 : i32
    %scan3A_188 = arith.constant 632 : i32
    %scan3A_189 = arith.addi %scan3A_187, %scan3A_188 : i32
    %scan3A_190 = arith.constant 1 : i32
    %scan3A_191 = scf.for %scan3A_195 = %scan3A_187 to %scan3A_189 step %scan3A_190 iter_args(%scan3A_196 = %scan3A_186) -> (i32)  : i32 {
      %broadcast_in_dim3A_197 = vector.broadcast %scan3A_195 : i32 to vector<16xi32>
      %gather3A = tpu.vector_load_idx %arg6[%broadcast_in_dim3A_197] : memref<640xf32, #tpu.memory_space<vmem>>[vector<16xi32>], vector<16xf32>,
      %broadcast_in_dim3A_198 = vector.broadcast %scan3A_195 : i32 to vector<16xi32>
      %iota3A = tpu.iota {dimensions = array<i32: 0>} : vector<16xi32>
      tpu.vector_store_idx %arg9[%broadcast_in_dim3A_198, %iota3A], %gather3A : memref<632x16xf32, #tpu.memory_space<vmem>>[vector<16xi32>, vector<16xi32>], vector<16xf32>,
      %scan3A_199 = arith.constant 0 : i32
      scf.yield %scan3A_199 : i32
    }
    %scan3A_192 = arith.constant 632 : i32
    %mul3A_193 = arith.constant 632 : i32
    %mul3A_194 = arith.muli %arg1, %mul3A_193 : i32
    "tpu.region"() ({
      %run_scoped3A = tpu.sem_alloc : memref<!tpu.dma_semaphore, #tpu.memory_space<semaphore_mem>>
      %dma_start3A = arith.constant 0 : i32
      %dma_start3A_195 = tpu.memref_slice %arg3[%arg0, %mul3A_194, %dma_start3A] : memref<2x10112x16xf32, #tpu.memory_space<hbm>> -> memref<1x632x16xf32, #tpu.memory_space<hbm>>
      %dma_start3A_196 = tpu.memref_squeeze %dma_start3A_195 : memref<1x632x16xf32, #tpu.memory_space<hbm>> -> memref<632x16xf32, #tpu.memory_space<hbm>>
      %dma_start3A_197 = arith.constant 0 : i32
      %dma_start3A_198 = tpu.memref_slice %arg3[%arg0, %mul3A_194, %dma_start3A_197] : memref<2x10112x16xf32, #tpu.memory_space<hbm>> -> memref<1x632x16xf32, #tpu.memory_space<hbm>>
      %dma_start3A_199 = tpu.memref_squeeze %dma_start3A_198 : memref<1x632x16xf32, #tpu.memory_space<hbm>> -> memref<632x16xf32, #tpu.memory_space<hbm>>
      tpu.enqueue_dma source(%arg9 : memref<632x16xf32, #tpu.memory_space<vmem>>) target(%dma_start3A_199 : memref<632x16xf32, #tpu.memory_space<hbm>>) target_semaphore(%run_scoped3A : memref<!tpu.dma_semaphore, #tpu.memory_space<semaphore_mem>>)
      %dma_wait3A = arith.constant 0 : i32
      %dma_wait3A_200 = tpu.memref_slice %arg3[%arg0, %mul3A_194, %dma_wait3A] : memref<2x10112x16xf32, #tpu.memory_space<hbm>> -> memref<1x632x16xf32, #tpu.memory_space<hbm>>
      %dma_wait3A_201 = tpu.memref_squeeze %dma_wait3A_200 : memref<1x632x16xf32, #tpu.memory_space<hbm>> -> memref<632x16xf32, #tpu.memory_space<hbm>>
      %dma_wait3A_202 = arith.constant 0 : i32
      %dma_wait3A_203 = tpu.memref_slice %arg3[%arg0, %mul3A_194, %dma_wait3A_202] : memref<2x10112x16xf32, #tpu.memory_space<hbm>> -> memref<1x632x16xf32, #tpu.memory_space<hbm>>
      %dma_wait3A_204 = tpu.memref_squeeze %dma_wait3A_203 : memref<1x632x16xf32, #tpu.memory_space<hbm>> -> memref<632x16xf32, #tpu.memory_space<hbm>>
      tpu.wait_dma2 semaphore(%run_scoped3A : memref<!tpu.dma_semaphore, #tpu.memory_space<semaphore_mem>>) src(%arg9 : memref<632x16xf32, #tpu.memory_space<vmem>>) dst(%dma_wait3A_204 : memref<632x16xf32, #tpu.memory_space<hbm>>)
      tpu.yield
    }) : () -> ()
    return
  }
}

#map = affine_map<(d0, d1) -> (0, 0)>
#map1 = affine_map<(d0, d1) -> (0, 0, 0)>
module attributes {stable_mosaic.version = 14 : i64} {
  func.func @_sc_scatter_body(%arg0: i32, %arg1: i32, %arg2: memref<10000x128xf32, #tpu.memory_space<hbm>>, %arg3: memref<16x240x128xi32, #tpu.memory_space<hbm>>, %arg4: memref<16x240x128xi32, #tpu.memory_space<hbm>>, %arg5: memref<632x128xf32, #tpu.memory_space<hbm>>, %arg6: memref<2x10112x128xf32, #tpu.memory_space<hbm>>, %arg7: memref<10112x128xf32, #tpu.memory_space<vmem_shared>>, %arg8: memref<120x128xi32, #tpu.memory_space<vmem>>, %arg9: memref<120x128xi32, #tpu.memory_space<vmem>>, %arg10: memref<128x128xf32, #tpu.memory_space<vmem>>, %arg11: memref<!tpu.dma_semaphore, #tpu.memory_space<semaphore_mem>>) attributes {dimension_semantics = [#tpu.dimension_semantics<core_parallel>, #tpu.dimension_semantics<subcore_parallel>], iteration_bounds = array<i64: 2, 16>, scalar_prefetch = 0 : i64, scratch_operands = 5 : i64, tpu.core_type = #tpu.core_type<sc_vector_subcore>, window_params = [{transform_indices = #map}, {transform_indices = #map1}, {transform_indices = #map1}, {transform_indices = #map}, {transform_indices = #map1}]} {
    %eq3A = arith.constant 0 : i32
    %eq3A_0 = arith.cmpi eq, %arg0, %eq3A : i32
    %jit3A = arith.constant 0 : i32
    %jit3A_1 = arith.constant 120 : i32
    %select_n3A = arith.select %eq3A_0, %jit3A, %jit3A_1 : i32
    %eq3A_2 = arith.constant 0 : i32
    %eq3A_3 = arith.cmpi eq, %arg0, %eq3A_2 : i32
    %jit3A_4 = arith.constant 120 : i32
    %jit3A_5 = arith.constant 38 : i32
    %select_n3A_6 = arith.select %eq3A_3, %jit3A_4, %jit3A_5 : i32
    "tpu.region"() ({
      %run_scoped3A = tpu.sem_alloc : memref<!tpu.dma_semaphore, #tpu.memory_space<semaphore_mem>>
      %dma_start3A = arith.constant 0 : i32
      %dma_start3A_24 = tpu.memref_slice %arg3[%arg1, %select_n3A, %dma_start3A] : memref<16x240x128xi32, #tpu.memory_space<hbm>> -> memref<1x120x128xi32, #tpu.memory_space<hbm>>
      %dma_start3A_25 = tpu.memref_squeeze %dma_start3A_24 : memref<1x120x128xi32, #tpu.memory_space<hbm>> -> memref<120x128xi32, #tpu.memory_space<hbm>>
      %dma_start3A_26 = arith.constant 0 : i32
      %dma_start3A_27 = tpu.memref_slice %arg3[%arg1, %select_n3A, %dma_start3A_26] : memref<16x240x128xi32, #tpu.memory_space<hbm>> -> memref<1x120x128xi32, #tpu.memory_space<hbm>>
      %dma_start3A_28 = tpu.memref_squeeze %dma_start3A_27 : memref<1x120x128xi32, #tpu.memory_space<hbm>> -> memref<120x128xi32, #tpu.memory_space<hbm>>
      tpu.enqueue_dma source(%dma_start3A_28 : memref<120x128xi32, #tpu.memory_space<hbm>>) target(%arg8 : memref<120x128xi32, #tpu.memory_space<vmem>>) target_semaphore(%run_scoped3A : memref<!tpu.dma_semaphore, #tpu.memory_space<semaphore_mem>>)
      %dma_wait3A = arith.constant 0 : i32
      %dma_wait3A_29 = tpu.memref_slice %arg3[%arg1, %select_n3A, %dma_wait3A] : memref<16x240x128xi32, #tpu.memory_space<hbm>> -> memref<1x120x128xi32, #tpu.memory_space<hbm>>
      %dma_wait3A_30 = tpu.memref_squeeze %dma_wait3A_29 : memref<1x120x128xi32, #tpu.memory_space<hbm>> -> memref<120x128xi32, #tpu.memory_space<hbm>>
      %dma_wait3A_31 = arith.constant 0 : i32
      %dma_wait3A_32 = tpu.memref_slice %arg3[%arg1, %select_n3A, %dma_wait3A_31] : memref<16x240x128xi32, #tpu.memory_space<hbm>> -> memref<1x120x128xi32, #tpu.memory_space<hbm>>
      %dma_wait3A_33 = tpu.memref_squeeze %dma_wait3A_32 : memref<1x120x128xi32, #tpu.memory_space<hbm>> -> memref<120x128xi32, #tpu.memory_space<hbm>>
      tpu.wait_dma2 semaphore(%run_scoped3A : memref<!tpu.dma_semaphore, #tpu.memory_space<semaphore_mem>>) src(%dma_wait3A_33 : memref<120x128xi32, #tpu.memory_space<hbm>>) dst(%arg8 : memref<120x128xi32, #tpu.memory_space<vmem>>)
      tpu.yield
    }) : () -> ()
    "tpu.region"() ({
      %run_scoped3A = tpu.sem_alloc : memref<!tpu.dma_semaphore, #tpu.memory_space<semaphore_mem>>
      %dma_start3A = arith.constant 0 : i32
      %dma_start3A_24 = tpu.memref_slice %arg4[%arg1, %select_n3A, %dma_start3A] : memref<16x240x128xi32, #tpu.memory_space<hbm>> -> memref<1x120x128xi32, #tpu.memory_space<hbm>>
      %dma_start3A_25 = tpu.memref_squeeze %dma_start3A_24 : memref<1x120x128xi32, #tpu.memory_space<hbm>> -> memref<120x128xi32, #tpu.memory_space<hbm>>
      %dma_start3A_26 = arith.constant 0 : i32
      %dma_start3A_27 = tpu.memref_slice %arg4[%arg1, %select_n3A, %dma_start3A_26] : memref<16x240x128xi32, #tpu.memory_space<hbm>> -> memref<1x120x128xi32, #tpu.memory_space<hbm>>
      %dma_start3A_28 = tpu.memref_squeeze %dma_start3A_27 : memref<1x120x128xi32, #tpu.memory_space<hbm>> -> memref<120x128xi32, #tpu.memory_space<hbm>>
      tpu.enqueue_dma source(%dma_start3A_28 : memref<120x128xi32, #tpu.memory_space<hbm>>) target(%arg9 : memref<120x128xi32, #tpu.memory_space<vmem>>) target_semaphore(%run_scoped3A : memref<!tpu.dma_semaphore, #tpu.memory_space<semaphore_mem>>)
      %dma_wait3A = arith.constant 0 : i32
      %dma_wait3A_29 = tpu.memref_slice %arg4[%arg1, %select_n3A, %dma_wait3A] : memref<16x240x128xi32, #tpu.memory_space<hbm>> -> memref<1x120x128xi32, #tpu.memory_space<hbm>>
      %dma_wait3A_30 = tpu.memref_squeeze %dma_wait3A_29 : memref<1x120x128xi32, #tpu.memory_space<hbm>> -> memref<120x128xi32, #tpu.memory_space<hbm>>
      %dma_wait3A_31 = arith.constant 0 : i32
      %dma_wait3A_32 = tpu.memref_slice %arg4[%arg1, %select_n3A, %dma_wait3A_31] : memref<16x240x128xi32, #tpu.memory_space<hbm>> -> memref<1x120x128xi32, #tpu.memory_space<hbm>>
      %dma_wait3A_33 = tpu.memref_squeeze %dma_wait3A_32 : memref<1x120x128xi32, #tpu.memory_space<hbm>> -> memref<120x128xi32, #tpu.memory_space<hbm>>
      tpu.wait_dma2 semaphore(%run_scoped3A : memref<!tpu.dma_semaphore, #tpu.memory_space<semaphore_mem>>) src(%dma_wait3A_33 : memref<120x128xi32, #tpu.memory_space<hbm>>) dst(%arg9 : memref<120x128xi32, #tpu.memory_space<vmem>>)
      tpu.yield
    }) : () -> ()
    %mul3A = arith.constant 632 : i32
    %mul3A_7 = arith.muli %arg1, %mul3A : i32
    "tpu.region"() ({
      %run_scoped3A = tpu.sem_alloc : memref<!tpu.dma_semaphore, #tpu.memory_space<semaphore_mem>>
      %dma_start3A = arith.constant 0 : i32
      %dma_start3A_24 = tpu.memref_slice %arg7[%mul3A_7, %dma_start3A] : memref<10112x128xf32, #tpu.memory_space<vmem_shared>> -> memref<632x128xf32, #tpu.memory_space<vmem_shared>>
      tpu.enqueue_dma source(%arg5 : memref<632x128xf32, #tpu.memory_space<hbm>>) target(%dma_start3A_24 : memref<632x128xf32, #tpu.memory_space<vmem_shared>>) target_semaphore(%run_scoped3A : memref<!tpu.dma_semaphore, #tpu.memory_space<semaphore_mem>>)
      %dma_wait3A = arith.constant 0 : i32
      %dma_wait3A_25 = tpu.memref_slice %arg7[%mul3A_7, %dma_wait3A] : memref<10112x128xf32, #tpu.memory_space<vmem_shared>> -> memref<632x128xf32, #tpu.memory_space<vmem_shared>>
      tpu.wait_dma2 semaphore(%run_scoped3A : memref<!tpu.dma_semaphore, #tpu.memory_space<semaphore_mem>>) src(%arg5 : memref<632x128xf32, #tpu.memory_space<hbm>>) dst(%dma_wait3A_25 : memref<632x128xf32, #tpu.memory_space<vmem_shared>>)
      tpu.yield
    }) : () -> ()
    %barrier3A = arith.constant 0 : index
    tpu.barrier barrier_id(%barrier3A)
    %while3A = arith.constant 0 : i32
    %while3A_8 = arith.constant 0 : i32
    %while3A_9 = arith.subi %select_n3A_6, %while3A : i32
    %while3A_10 = arith.addi %while3A, %while3A_9 : i32
    %while3A_11 = arith.constant 1 : i32
    %while3A_12 = arith.divsi %while3A_9, %while3A_11 : i32
    %while3A_13 = arith.muli %while3A_12, %while3A_11 : i32
    %while3A_14 = arith.addi %while3A, %while3A_13 : i32
    %while3A_15 = arith.constant 1 : i32
    %while3A_16 = scf.for %while3A_24 = %while3A to %while3A_14 step %while3A_15 iter_args(%while3A_25 = %while3A_8) -> (i32)  : i32 {
      %dma_start3A = arith.constant 0 : i32
      %dma_start3A_26 = tpu.memref_slice %arg8[%while3A_24, %dma_start3A] : memref<120x128xi32, #tpu.memory_space<vmem>> -> memref<1x128xi32, #tpu.memory_space<vmem>>
      %dma_start3A_27 = tpu.memref_squeeze %dma_start3A_26 : memref<1x128xi32, #tpu.memory_space<vmem>> -> memref<128xi32, #tpu.memory_space<vmem>>
      %dma_start3A_28 = arith.constant 0 : i32
      %dma_start3A_29 = arith.constant 0 : i32
      %dma_start3A_30 = tpu.memref_slice %arg2[%dma_start3A_28, %dma_start3A_29] : memref<10000x128xf32, #tpu.memory_space<hbm>> -> memref<10000x128xf32, #tpu.memory_space<hbm>>
      tpu.enqueue_indirect_dma source(%dma_start3A_30 : memref<10000x128xf32, #tpu.memory_space<hbm>>) target(%arg10 : memref<128x128xf32, #tpu.memory_space<vmem>>) offsets(%dma_start3A_27 : memref<128xi32, #tpu.memory_space<vmem>>) semaphore(%arg11 : memref<!tpu.dma_semaphore, #tpu.memory_space<semaphore_mem>>)
      %dma_wait3A = arith.constant 0 : i32
      %dma_wait3A_31 = tpu.memref_slice %arg8[%while3A_24, %dma_wait3A] : memref<120x128xi32, #tpu.memory_space<vmem>> -> memref<1x128xi32, #tpu.memory_space<vmem>>
      %dma_wait3A_32 = tpu.memref_squeeze %dma_wait3A_31 : memref<1x128xi32, #tpu.memory_space<vmem>> -> memref<128xi32, #tpu.memory_space<vmem>>
      %dma_wait3A_33 = arith.constant 0 : i32
      %dma_wait3A_34 = arith.constant 0 : i32
      %dma_wait3A_35 = tpu.memref_slice %arg2[%dma_wait3A_33, %dma_wait3A_34] : memref<10000x128xf32, #tpu.memory_space<hbm>> -> memref<10000x128xf32, #tpu.memory_space<hbm>>
      tpu.wait_indirect_dma semaphore(%arg11 : memref<!tpu.dma_semaphore, #tpu.memory_space<semaphore_mem>>) src(%dma_wait3A_35 : memref<10000x128xf32, #tpu.memory_space<hbm>>) dst(%arg10 : memref<128x128xf32, #tpu.memory_space<vmem>>)
      "tpu.region"() ({
        %run_scoped3A = tpu.sem_alloc : memref<!tpu.dma_semaphore, #tpu.memory_space<semaphore_mem>>
        %dma_start3A_37 = arith.constant 0 : i32
        %dma_start3A_38 = tpu.memref_slice %arg9[%while3A_24, %dma_start3A_37] : memref<120x128xi32, #tpu.memory_space<vmem>> -> memref<1x128xi32, #tpu.memory_space<vmem>>
        %dma_start3A_39 = tpu.memref_squeeze %dma_start3A_38 : memref<1x128xi32, #tpu.memory_space<vmem>> -> memref<128xi32, #tpu.memory_space<vmem>>
        %dma_start3A_40 = arith.constant 0 : i32
        %dma_start3A_41 = arith.constant 0 : i32
        %dma_start3A_42 = tpu.memref_slice %arg7[%dma_start3A_40, %dma_start3A_41] : memref<10112x128xf32, #tpu.memory_space<vmem_shared>> -> memref<10112x128xf32, #tpu.memory_space<vmem_shared>>
        tpu.enqueue_indirect_dma source(%arg10 : memref<128x128xf32, #tpu.memory_space<vmem>>) target(%dma_start3A_42 : memref<10112x128xf32, #tpu.memory_space<vmem_shared>>) offsets(%dma_start3A_39 : memref<128xi32, #tpu.memory_space<vmem>>) semaphore(%run_scoped3A : memref<!tpu.dma_semaphore, #tpu.memory_space<semaphore_mem>>) {add = true}
        %dma_wait3A_43 = arith.constant 0 : i32
        %dma_wait3A_44 = tpu.memref_slice %arg9[%while3A_24, %dma_wait3A_43] : memref<120x128xi32, #tpu.memory_space<vmem>> -> memref<1x128xi32, #tpu.memory_space<vmem>>
        %dma_wait3A_45 = tpu.memref_squeeze %dma_wait3A_44 : memref<1x128xi32, #tpu.memory_space<vmem>> -> memref<128xi32, #tpu.memory_space<vmem>>
        %dma_wait3A_46 = arith.constant 0 : i32
        %dma_wait3A_47 = arith.constant 0 : i32
        %dma_wait3A_48 = tpu.memref_slice %arg7[%dma_wait3A_46, %dma_wait3A_47] : memref<10112x128xf32, #tpu.memory_space<vmem_shared>> -> memref<10112x128xf32, #tpu.memory_space<vmem_shared>>
        tpu.wait_indirect_dma semaphore(%run_scoped3A : memref<!tpu.dma_semaphore, #tpu.memory_space<semaphore_mem>>) src(%arg10 : memref<128x128xf32, #tpu.memory_space<vmem>>) dst(%dma_wait3A_48 : memref<10112x128xf32, #tpu.memory_space<vmem_shared>>)
        tpu.yield
      }) : () -> ()
      %while3A_36 = arith.constant 0 : i32
      scf.yield %while3A_36 : i32
    }
    %while3A_17 = arith.constant 1 : i32
    %while3A_18 = scf.for %while3A_24 = %while3A_14 to %while3A_10 step %while3A_17 iter_args(%while3A_25 = %while3A_16) -> (i32)  : i32 {
      %dma_start3A = arith.constant 0 : i32
      %dma_start3A_26 = tpu.memref_slice %arg8[%while3A_24, %dma_start3A] : memref<120x128xi32, #tpu.memory_space<vmem>> -> memref<1x128xi32, #tpu.memory_space<vmem>>
      %dma_start3A_27 = tpu.memref_squeeze %dma_start3A_26 : memref<1x128xi32, #tpu.memory_space<vmem>> -> memref<128xi32, #tpu.memory_space<vmem>>
      %dma_start3A_28 = arith.constant 0 : i32
      %dma_start3A_29 = arith.constant 0 : i32
      %dma_start3A_30 = tpu.memref_slice %arg2[%dma_start3A_28, %dma_start3A_29] : memref<10000x128xf32, #tpu.memory_space<hbm>> -> memref<10000x128xf32, #tpu.memory_space<hbm>>
      tpu.enqueue_indirect_dma source(%dma_start3A_30 : memref<10000x128xf32, #tpu.memory_space<hbm>>) target(%arg10 : memref<128x128xf32, #tpu.memory_space<vmem>>) offsets(%dma_start3A_27 : memref<128xi32, #tpu.memory_space<vmem>>) semaphore(%arg11 : memref<!tpu.dma_semaphore, #tpu.memory_space<semaphore_mem>>)
      %dma_wait3A = arith.constant 0 : i32
      %dma_wait3A_31 = tpu.memref_slice %arg8[%while3A_24, %dma_wait3A] : memref<120x128xi32, #tpu.memory_space<vmem>> -> memref<1x128xi32, #tpu.memory_space<vmem>>
      %dma_wait3A_32 = tpu.memref_squeeze %dma_wait3A_31 : memref<1x128xi32, #tpu.memory_space<vmem>> -> memref<128xi32, #tpu.memory_space<vmem>>
      %dma_wait3A_33 = arith.constant 0 : i32
      %dma_wait3A_34 = arith.constant 0 : i32
      %dma_wait3A_35 = tpu.memref_slice %arg2[%dma_wait3A_33, %dma_wait3A_34] : memref<10000x128xf32, #tpu.memory_space<hbm>> -> memref<10000x128xf32, #tpu.memory_space<hbm>>
      tpu.wait_indirect_dma semaphore(%arg11 : memref<!tpu.dma_semaphore, #tpu.memory_space<semaphore_mem>>) src(%dma_wait3A_35 : memref<10000x128xf32, #tpu.memory_space<hbm>>) dst(%arg10 : memref<128x128xf32, #tpu.memory_space<vmem>>)
      "tpu.region"() ({
        %run_scoped3A = tpu.sem_alloc : memref<!tpu.dma_semaphore, #tpu.memory_space<semaphore_mem>>
        %dma_start3A_37 = arith.constant 0 : i32
        %dma_start3A_38 = tpu.memref_slice %arg9[%while3A_24, %dma_start3A_37] : memref<120x128xi32, #tpu.memory_space<vmem>> -> memref<1x128xi32, #tpu.memory_space<vmem>>
        %dma_start3A_39 = tpu.memref_squeeze %dma_start3A_38 : memref<1x128xi32, #tpu.memory_space<vmem>> -> memref<128xi32, #tpu.memory_space<vmem>>
        %dma_start3A_40 = arith.constant 0 : i32
        %dma_start3A_41 = arith.constant 0 : i32
        %dma_start3A_42 = tpu.memref_slice %arg7[%dma_start3A_40, %dma_start3A_41] : memref<10112x128xf32, #tpu.memory_space<vmem_shared>> -> memref<10112x128xf32, #tpu.memory_space<vmem_shared>>
        tpu.enqueue_indirect_dma source(%arg10 : memref<128x128xf32, #tpu.memory_space<vmem>>) target(%dma_start3A_42 : memref<10112x128xf32, #tpu.memory_space<vmem_shared>>) offsets(%dma_start3A_39 : memref<128xi32, #tpu.memory_space<vmem>>) semaphore(%run_scoped3A : memref<!tpu.dma_semaphore, #tpu.memory_space<semaphore_mem>>) {add = true}
        %dma_wait3A_43 = arith.constant 0 : i32
        %dma_wait3A_44 = tpu.memref_slice %arg9[%while3A_24, %dma_wait3A_43] : memref<120x128xi32, #tpu.memory_space<vmem>> -> memref<1x128xi32, #tpu.memory_space<vmem>>
        %dma_wait3A_45 = tpu.memref_squeeze %dma_wait3A_44 : memref<1x128xi32, #tpu.memory_space<vmem>> -> memref<128xi32, #tpu.memory_space<vmem>>
        %dma_wait3A_46 = arith.constant 0 : i32
        %dma_wait3A_47 = arith.constant 0 : i32
        %dma_wait3A_48 = tpu.memref_slice %arg7[%dma_wait3A_46, %dma_wait3A_47] : memref<10112x128xf32, #tpu.memory_space<vmem_shared>> -> memref<10112x128xf32, #tpu.memory_space<vmem_shared>>
        tpu.wait_indirect_dma semaphore(%run_scoped3A : memref<!tpu.dma_semaphore, #tpu.memory_space<semaphore_mem>>) src(%arg10 : memref<128x128xf32, #tpu.memory_space<vmem>>) dst(%dma_wait3A_48 : memref<10112x128xf32, #tpu.memory_space<vmem_shared>>)
        tpu.yield
      }) : () -> ()
      %while3A_36 = arith.constant 0 : i32
      scf.yield %while3A_36 : i32
    }
    %barrier3A_19 = arith.constant 0 : index
    tpu.barrier barrier_id(%barrier3A_19)
    %mul3A_20 = arith.constant 632 : i32
    %mul3A_21 = arith.muli %arg1, %mul3A_20 : i32
    %mul3A_22 = arith.constant 632 : i32
    %mul3A_23 = arith.muli %arg1, %mul3A_22 : i32
    "tpu.region"() ({
      %run_scoped3A = tpu.sem_alloc : memref<!tpu.dma_semaphore, #tpu.memory_space<semaphore_mem>>
      %dma_start3A = arith.constant 0 : i32
      %dma_start3A_24 = tpu.memref_slice %arg6[%arg0, %mul3A_23, %dma_start3A] : memref<2x10112x128xf32, #tpu.memory_space<hbm>> -> memref<1x632x128xf32, #tpu.memory_space<hbm>>
      %dma_start3A_25 = tpu.memref_squeeze %dma_start3A_24 : memref<1x632x128xf32, #tpu.memory_space<hbm>> -> memref<632x128xf32, #tpu.memory_space<hbm>>
      %dma_start3A_26 = arith.constant 0 : i32
      %dma_start3A_27 = tpu.memref_slice %arg7[%mul3A_21, %dma_start3A_26] : memref<10112x128xf32, #tpu.memory_space<vmem_shared>> -> memref<632x128xf32, #tpu.memory_space<vmem_shared>>
      tpu.enqueue_dma source(%dma_start3A_27 : memref<632x128xf32, #tpu.memory_space<vmem_shared>>) target(%dma_start3A_25 : memref<632x128xf32, #tpu.memory_space<hbm>>) target_semaphore(%run_scoped3A : memref<!tpu.dma_semaphore, #tpu.memory_space<semaphore_mem>>)
      %dma_wait3A = arith.constant 0 : i32
      %dma_wait3A_28 = tpu.memref_slice %arg6[%arg0, %mul3A_23, %dma_wait3A] : memref<2x10112x128xf32, #tpu.memory_space<hbm>> -> memref<1x632x128xf32, #tpu.memory_space<hbm>>
      %dma_wait3A_29 = tpu.memref_squeeze %dma_wait3A_28 : memref<1x632x128xf32, #tpu.memory_space<hbm>> -> memref<632x128xf32, #tpu.memory_space<hbm>>
      %dma_wait3A_30 = arith.constant 0 : i32
      %dma_wait3A_31 = tpu.memref_slice %arg7[%mul3A_21, %dma_wait3A_30] : memref<10112x128xf32, #tpu.memory_space<vmem_shared>> -> memref<632x128xf32, #tpu.memory_space<vmem_shared>>
      tpu.wait_dma2 semaphore(%run_scoped3A : memref<!tpu.dma_semaphore, #tpu.memory_space<semaphore_mem>>) src(%dma_wait3A_31 : memref<632x128xf32, #tpu.memory_space<vmem_shared>>) dst(%dma_wait3A_29 : memref<632x128xf32, #tpu.memory_space<hbm>>)
      tpu.yield
    }) : () -> ()
    return
  }
}

#map = affine_map<(d0, d1) -> (0, 0)>
#map1 = affine_map<(d0, d1) -> (0, 0, 0)>
module attributes {stable_mosaic.version = 14 : i64} {
  func.func @_sc_scatter_body(%arg0: i32, %arg1: i32, %arg2: memref<10000x128xf32, #tpu.memory_space<hbm>>, %arg3: memref<16x240x128xi32, #tpu.memory_space<hbm>>, %arg4: memref<16x240x128xi32, #tpu.memory_space<hbm>>, %arg5: memref<632x128xf32, #tpu.memory_space<hbm>>, %arg6: memref<2x10112x128xf32, #tpu.memory_space<hbm>>, %arg7: memref<10112x128xf32, #tpu.memory_space<vmem_shared>>, %arg8: memref<120x128xi32, #tpu.memory_space<vmem>>, %arg9: memref<120x128xi32, #tpu.memory_space<vmem>>, %arg10: memref<128x128xf32, #tpu.memory_space<vmem>>, %arg11: memref<!tpu.dma_semaphore, #tpu.memory_space<semaphore_mem>>) attributes {dimension_semantics = [#tpu.dimension_semantics<core_parallel>, #tpu.dimension_semantics<subcore_parallel>], iteration_bounds = array<i64: 2, 16>, scalar_prefetch = 0 : i64, scratch_operands = 5 : i64, tpu.core_type = #tpu.core_type<sc_vector_subcore>, window_params = [{transform_indices = #map}, {transform_indices = #map1}, {transform_indices = #map1}, {transform_indices = #map}, {transform_indices = #map1}]} {
    %eq3A = arith.constant 0 : i32
    %eq3A_0 = arith.cmpi eq, %arg0, %eq3A : i32
    %jit3A = arith.constant 0 : i32
    %jit3A_1 = arith.constant 120 : i32
    %select_n3A = arith.select %eq3A_0, %jit3A, %jit3A_1 : i32
    %eq3A_2 = arith.constant 0 : i32
    %eq3A_3 = arith.cmpi eq, %arg0, %eq3A_2 : i32
    %jit3A_4 = arith.constant 120 : i32
    %jit3A_5 = arith.constant 38 : i32
    %select_n3A_6 = arith.select %eq3A_3, %jit3A_4, %jit3A_5 : i32
    "tpu.region"() ({
      %run_scoped3A = tpu.sem_alloc : memref<!tpu.dma_semaphore, #tpu.memory_space<semaphore_mem>>
      %dma_start3A = arith.constant 0 : i32
      %dma_start3A_24 = tpu.memref_slice %arg3[%arg1, %select_n3A, %dma_start3A] : memref<16x240x128xi32, #tpu.memory_space<hbm>> -> memref<1x120x128xi32, #tpu.memory_space<hbm>>
      %dma_start3A_25 = tpu.memref_squeeze %dma_start3A_24 : memref<1x120x128xi32, #tpu.memory_space<hbm>> -> memref<120x128xi32, #tpu.memory_space<hbm>>
      %dma_start3A_26 = arith.constant 0 : i32
      %dma_start3A_27 = tpu.memref_slice %arg3[%arg1, %select_n3A, %dma_start3A_26] : memref<16x240x128xi32, #tpu.memory_space<hbm>> -> memref<1x120x128xi32, #tpu.memory_space<hbm>>
      %dma_start3A_28 = tpu.memref_squeeze %dma_start3A_27 : memref<1x120x128xi32, #tpu.memory_space<hbm>> -> memref<120x128xi32, #tpu.memory_space<hbm>>
      tpu.enqueue_dma source(%dma_start3A_28 : memref<120x128xi32, #tpu.memory_space<hbm>>) target(%arg8 : memref<120x128xi32, #tpu.memory_space<vmem>>) target_semaphore(%run_scoped3A : memref<!tpu.dma_semaphore, #tpu.memory_space<semaphore_mem>>)
      %dma_wait3A = arith.constant 0 : i32
      %dma_wait3A_29 = tpu.memref_slice %arg3[%arg1, %select_n3A, %dma_wait3A] : memref<16x240x128xi32, #tpu.memory_space<hbm>> -> memref<1x120x128xi32, #tpu.memory_space<hbm>>
      %dma_wait3A_30 = tpu.memref_squeeze %dma_wait3A_29 : memref<1x120x128xi32, #tpu.memory_space<hbm>> -> memref<120x128xi32, #tpu.memory_space<hbm>>
      %dma_wait3A_31 = arith.constant 0 : i32
      %dma_wait3A_32 = tpu.memref_slice %arg3[%arg1, %select_n3A, %dma_wait3A_31] : memref<16x240x128xi32, #tpu.memory_space<hbm>> -> memref<1x120x128xi32, #tpu.memory_space<hbm>>
      %dma_wait3A_33 = tpu.memref_squeeze %dma_wait3A_32 : memref<1x120x128xi32, #tpu.memory_space<hbm>> -> memref<120x128xi32, #tpu.memory_space<hbm>>
      tpu.wait_dma2 semaphore(%run_scoped3A : memref<!tpu.dma_semaphore, #tpu.memory_space<semaphore_mem>>) src(%dma_wait3A_33 : memref<120x128xi32, #tpu.memory_space<hbm>>) dst(%arg8 : memref<120x128xi32, #tpu.memory_space<vmem>>)
      tpu.yield
    }) : () -> ()
    "tpu.region"() ({
      %run_scoped3A = tpu.sem_alloc : memref<!tpu.dma_semaphore, #tpu.memory_space<semaphore_mem>>
      %dma_start3A = arith.constant 0 : i32
      %dma_start3A_24 = tpu.memref_slice %arg4[%arg1, %select_n3A, %dma_start3A] : memref<16x240x128xi32, #tpu.memory_space<hbm>> -> memref<1x120x128xi32, #tpu.memory_space<hbm>>
      %dma_start3A_25 = tpu.memref_squeeze %dma_start3A_24 : memref<1x120x128xi32, #tpu.memory_space<hbm>> -> memref<120x128xi32, #tpu.memory_space<hbm>>
      %dma_start3A_26 = arith.constant 0 : i32
      %dma_start3A_27 = tpu.memref_slice %arg4[%arg1, %select_n3A, %dma_start3A_26] : memref<16x240x128xi32, #tpu.memory_space<hbm>> -> memref<1x120x128xi32, #tpu.memory_space<hbm>>
      %dma_start3A_28 = tpu.memref_squeeze %dma_start3A_27 : memref<1x120x128xi32, #tpu.memory_space<hbm>> -> memref<120x128xi32, #tpu.memory_space<hbm>>
      tpu.enqueue_dma source(%dma_start3A_28 : memref<120x128xi32, #tpu.memory_space<hbm>>) target(%arg9 : memref<120x128xi32, #tpu.memory_space<vmem>>) target_semaphore(%run_scoped3A : memref<!tpu.dma_semaphore, #tpu.memory_space<semaphore_mem>>)
      %dma_wait3A = arith.constant 0 : i32
      %dma_wait3A_29 = tpu.memref_slice %arg4[%arg1, %select_n3A, %dma_wait3A] : memref<16x240x128xi32, #tpu.memory_space<hbm>> -> memref<1x120x128xi32, #tpu.memory_space<hbm>>
      %dma_wait3A_30 = tpu.memref_squeeze %dma_wait3A_29 : memref<1x120x128xi32, #tpu.memory_space<hbm>> -> memref<120x128xi32, #tpu.memory_space<hbm>>
      %dma_wait3A_31 = arith.constant 0 : i32
      %dma_wait3A_32 = tpu.memref_slice %arg4[%arg1, %select_n3A, %dma_wait3A_31] : memref<16x240x128xi32, #tpu.memory_space<hbm>> -> memref<1x120x128xi32, #tpu.memory_space<hbm>>
      %dma_wait3A_33 = tpu.memref_squeeze %dma_wait3A_32 : memref<1x120x128xi32, #tpu.memory_space<hbm>> -> memref<120x128xi32, #tpu.memory_space<hbm>>
      tpu.wait_dma2 semaphore(%run_scoped3A : memref<!tpu.dma_semaphore, #tpu.memory_space<semaphore_mem>>) src(%dma_wait3A_33 : memref<120x128xi32, #tpu.memory_space<hbm>>) dst(%arg9 : memref<120x128xi32, #tpu.memory_space<vmem>>)
      tpu.yield
    }) : () -> ()
    %mul3A = arith.constant 632 : i32
    %mul3A_7 = arith.muli %arg1, %mul3A : i32
    "tpu.region"() ({
      %run_scoped3A = tpu.sem_alloc : memref<!tpu.dma_semaphore, #tpu.memory_space<semaphore_mem>>
      %dma_start3A = arith.constant 0 : i32
      %dma_start3A_24 = tpu.memref_slice %arg7[%mul3A_7, %dma_start3A] : memref<10112x128xf32, #tpu.memory_space<vmem_shared>> -> memref<632x128xf32, #tpu.memory_space<vmem_shared>>
      tpu.enqueue_dma source(%arg5 : memref<632x128xf32, #tpu.memory_space<hbm>>) target(%dma_start3A_24 : memref<632x128xf32, #tpu.memory_space<vmem_shared>>) target_semaphore(%run_scoped3A : memref<!tpu.dma_semaphore, #tpu.memory_space<semaphore_mem>>)
      %dma_wait3A = arith.constant 0 : i32
      %dma_wait3A_25 = tpu.memref_slice %arg7[%mul3A_7, %dma_wait3A] : memref<10112x128xf32, #tpu.memory_space<vmem_shared>> -> memref<632x128xf32, #tpu.memory_space<vmem_shared>>
      tpu.wait_dma2 semaphore(%run_scoped3A : memref<!tpu.dma_semaphore, #tpu.memory_space<semaphore_mem>>) src(%arg5 : memref<632x128xf32, #tpu.memory_space<hbm>>) dst(%dma_wait3A_25 : memref<632x128xf32, #tpu.memory_space<vmem_shared>>)
      tpu.yield
    }) : () -> ()
    %barrier3A = arith.constant 0 : index
    tpu.barrier barrier_id(%barrier3A)
    %while3A = arith.constant 0 : i32
    %while3A_8 = arith.constant 0 : i32
    %while3A_9 = arith.subi %select_n3A_6, %while3A : i32
    %while3A_10 = arith.addi %while3A, %while3A_9 : i32
    %while3A_11 = arith.constant 1 : i32
    %while3A_12 = arith.divsi %while3A_9, %while3A_11 : i32
    %while3A_13 = arith.muli %while3A_12, %while3A_11 : i32
    %while3A_14 = arith.addi %while3A, %while3A_13 : i32
    %while3A_15 = arith.constant 1 : i32
    %while3A_16 = scf.for %while3A_24 = %while3A to %while3A_14 step %while3A_15 iter_args(%while3A_25 = %while3A_8) -> (i32)  : i32 {
      %dma_start3A = arith.constant 0 : i32
      %dma_start3A_26 = tpu.memref_slice %arg8[%while3A_24, %dma_start3A] : memref<120x128xi32, #tpu.memory_space<vmem>> -> memref<1x128xi32, #tpu.memory_space<vmem>>
      %dma_start3A_27 = tpu.memref_squeeze %dma_start3A_26 : memref<1x128xi32, #tpu.memory_space<vmem>> -> memref<128xi32, #tpu.memory_space<vmem>>
      %dma_start3A_28 = arith.constant 0 : i32
      %dma_start3A_29 = arith.constant 0 : i32
      %dma_start3A_30 = tpu.memref_slice %arg2[%dma_start3A_28, %dma_start3A_29] : memref<10000x128xf32, #tpu.memory_space<hbm>> -> memref<10000x128xf32, #tpu.memory_space<hbm>>
      tpu.enqueue_indirect_dma source(%dma_start3A_30 : memref<10000x128xf32, #tpu.memory_space<hbm>>) target(%arg10 : memref<128x128xf32, #tpu.memory_space<vmem>>) offsets(%dma_start3A_27 : memref<128xi32, #tpu.memory_space<vmem>>) semaphore(%arg11 : memref<!tpu.dma_semaphore, #tpu.memory_space<semaphore_mem>>)
      %dma_wait3A = arith.constant 0 : i32
      %dma_wait3A_31 = tpu.memref_slice %arg8[%while3A_24, %dma_wait3A] : memref<120x128xi32, #tpu.memory_space<vmem>> -> memref<1x128xi32, #tpu.memory_space<vmem>>
      %dma_wait3A_32 = tpu.memref_squeeze %dma_wait3A_31 : memref<1x128xi32, #tpu.memory_space<vmem>> -> memref<128xi32, #tpu.memory_space<vmem>>
      %dma_wait3A_33 = arith.constant 0 : i32
      %dma_wait3A_34 = arith.constant 0 : i32
      %dma_wait3A_35 = tpu.memref_slice %arg2[%dma_wait3A_33, %dma_wait3A_34] : memref<10000x128xf32, #tpu.memory_space<hbm>> -> memref<10000x128xf32, #tpu.memory_space<hbm>>
      tpu.wait_indirect_dma semaphore(%arg11 : memref<!tpu.dma_semaphore, #tpu.memory_space<semaphore_mem>>) src(%dma_wait3A_35 : memref<10000x128xf32, #tpu.memory_space<hbm>>) dst(%arg10 : memref<128x128xf32, #tpu.memory_space<vmem>>)
      "tpu.region"() ({
        %run_scoped3A = tpu.sem_alloc : memref<!tpu.dma_semaphore, #tpu.memory_space<semaphore_mem>>
        %dma_start3A_37 = arith.constant 0 : i32
        %dma_start3A_38 = tpu.memref_slice %arg9[%while3A_24, %dma_start3A_37] : memref<120x128xi32, #tpu.memory_space<vmem>> -> memref<1x128xi32, #tpu.memory_space<vmem>>
        %dma_start3A_39 = tpu.memref_squeeze %dma_start3A_38 : memref<1x128xi32, #tpu.memory_space<vmem>> -> memref<128xi32, #tpu.memory_space<vmem>>
        %dma_start3A_40 = arith.constant 0 : i32
        %dma_start3A_41 = arith.constant 0 : i32
        %dma_start3A_42 = tpu.memref_slice %arg7[%dma_start3A_40, %dma_start3A_41] : memref<10112x128xf32, #tpu.memory_space<vmem_shared>> -> memref<10112x128xf32, #tpu.memory_space<vmem_shared>>
        tpu.enqueue_indirect_dma source(%arg10 : memref<128x128xf32, #tpu.memory_space<vmem>>) target(%dma_start3A_42 : memref<10112x128xf32, #tpu.memory_space<vmem_shared>>) offsets(%dma_start3A_39 : memref<128xi32, #tpu.memory_space<vmem>>) semaphore(%run_scoped3A : memref<!tpu.dma_semaphore, #tpu.memory_space<semaphore_mem>>) {add = true}
        %dma_wait3A_43 = arith.constant 0 : i32
        %dma_wait3A_44 = tpu.memref_slice %arg9[%while3A_24, %dma_wait3A_43] : memref<120x128xi32, #tpu.memory_space<vmem>> -> memref<1x128xi32, #tpu.memory_space<vmem>>
        %dma_wait3A_45 = tpu.memref_squeeze %dma_wait3A_44 : memref<1x128xi32, #tpu.memory_space<vmem>> -> memref<128xi32, #tpu.memory_space<vmem>>
        %dma_wait3A_46 = arith.constant 0 : i32
        %dma_wait3A_47 = arith.constant 0 : i32
        %dma_wait3A_48 = tpu.memref_slice %arg7[%dma_wait3A_46, %dma_wait3A_47] : memref<10112x128xf32, #tpu.memory_space<vmem_shared>> -> memref<10112x128xf32, #tpu.memory_space<vmem_shared>>
        tpu.wait_indirect_dma semaphore(%run_scoped3A : memref<!tpu.dma_semaphore, #tpu.memory_space<semaphore_mem>>) src(%arg10 : memref<128x128xf32, #tpu.memory_space<vmem>>) dst(%dma_wait3A_48 : memref<10112x128xf32, #tpu.memory_space<vmem_shared>>)
        tpu.yield
      }) : () -> ()
      %while3A_36 = arith.constant 0 : i32
      scf.yield %while3A_36 : i32
    }
    %while3A_17 = arith.constant 1 : i32
    %while3A_18 = scf.for %while3A_24 = %while3A_14 to %while3A_10 step %while3A_17 iter_args(%while3A_25 = %while3A_16) -> (i32)  : i32 {
      %dma_start3A = arith.constant 0 : i32
      %dma_start3A_26 = tpu.memref_slice %arg8[%while3A_24, %dma_start3A] : memref<120x128xi32, #tpu.memory_space<vmem>> -> memref<1x128xi32, #tpu.memory_space<vmem>>
      %dma_start3A_27 = tpu.memref_squeeze %dma_start3A_26 : memref<1x128xi32, #tpu.memory_space<vmem>> -> memref<128xi32, #tpu.memory_space<vmem>>
      %dma_start3A_28 = arith.constant 0 : i32
      %dma_start3A_29 = arith.constant 0 : i32
      %dma_start3A_30 = tpu.memref_slice %arg2[%dma_start3A_28, %dma_start3A_29] : memref<10000x128xf32, #tpu.memory_space<hbm>> -> memref<10000x128xf32, #tpu.memory_space<hbm>>
      tpu.enqueue_indirect_dma source(%dma_start3A_30 : memref<10000x128xf32, #tpu.memory_space<hbm>>) target(%arg10 : memref<128x128xf32, #tpu.memory_space<vmem>>) offsets(%dma_start3A_27 : memref<128xi32, #tpu.memory_space<vmem>>) semaphore(%arg11 : memref<!tpu.dma_semaphore, #tpu.memory_space<semaphore_mem>>)
      %dma_wait3A = arith.constant 0 : i32
      %dma_wait3A_31 = tpu.memref_slice %arg8[%while3A_24, %dma_wait3A] : memref<120x128xi32, #tpu.memory_space<vmem>> -> memref<1x128xi32, #tpu.memory_space<vmem>>
      %dma_wait3A_32 = tpu.memref_squeeze %dma_wait3A_31 : memref<1x128xi32, #tpu.memory_space<vmem>> -> memref<128xi32, #tpu.memory_space<vmem>>
      %dma_wait3A_33 = arith.constant 0 : i32
      %dma_wait3A_34 = arith.constant 0 : i32
      %dma_wait3A_35 = tpu.memref_slice %arg2[%dma_wait3A_33, %dma_wait3A_34] : memref<10000x128xf32, #tpu.memory_space<hbm>> -> memref<10000x128xf32, #tpu.memory_space<hbm>>
      tpu.wait_indirect_dma semaphore(%arg11 : memref<!tpu.dma_semaphore, #tpu.memory_space<semaphore_mem>>) src(%dma_wait3A_35 : memref<10000x128xf32, #tpu.memory_space<hbm>>) dst(%arg10 : memref<128x128xf32, #tpu.memory_space<vmem>>)
      "tpu.region"() ({
        %run_scoped3A = tpu.sem_alloc : memref<!tpu.dma_semaphore, #tpu.memory_space<semaphore_mem>>
        %dma_start3A_37 = arith.constant 0 : i32
        %dma_start3A_38 = tpu.memref_slice %arg9[%while3A_24, %dma_start3A_37] : memref<120x128xi32, #tpu.memory_space<vmem>> -> memref<1x128xi32, #tpu.memory_space<vmem>>
        %dma_start3A_39 = tpu.memref_squeeze %dma_start3A_38 : memref<1x128xi32, #tpu.memory_space<vmem>> -> memref<128xi32, #tpu.memory_space<vmem>>
        %dma_start3A_40 = arith.constant 0 : i32
        %dma_start3A_41 = arith.constant 0 : i32
        %dma_start3A_42 = tpu.memref_slice %arg7[%dma_start3A_40, %dma_start3A_41] : memref<10112x128xf32, #tpu.memory_space<vmem_shared>> -> memref<10112x128xf32, #tpu.memory_space<vmem_shared>>
        tpu.enqueue_indirect_dma source(%arg10 : memref<128x128xf32, #tpu.memory_space<vmem>>) target(%dma_start3A_42 : memref<10112x128xf32, #tpu.memory_space<vmem_shared>>) offsets(%dma_start3A_39 : memref<128xi32, #tpu.memory_space<vmem>>) semaphore(%run_scoped3A : memref<!tpu.dma_semaphore, #tpu.memory_space<semaphore_mem>>) {add = true}
        %dma_wait3A_43 = arith.constant 0 : i32
        %dma_wait3A_44 = tpu.memref_slice %arg9[%while3A_24, %dma_wait3A_43] : memref<120x128xi32, #tpu.memory_space<vmem>> -> memref<1x128xi32, #tpu.memory_space<vmem>>
        %dma_wait3A_45 = tpu.memref_squeeze %dma_wait3A_44 : memref<1x128xi32, #tpu.memory_space<vmem>> -> memref<128xi32, #tpu.memory_space<vmem>>
        %dma_wait3A_46 = arith.constant 0 : i32
        %dma_wait3A_47 = arith.constant 0 : i32
        %dma_wait3A_48 = tpu.memref_slice %arg7[%dma_wait3A_46, %dma_wait3A_47] : memref<10112x128xf32, #tpu.memory_space<vmem_shared>> -> memref<10112x128xf32, #tpu.memory_space<vmem_shared>>
        tpu.wait_indirect_dma semaphore(%run_scoped3A : memref<!tpu.dma_semaphore, #tpu.memory_space<semaphore_mem>>) src(%arg10 : memref<128x128xf32, #tpu.memory_space<vmem>>) dst(%dma_wait3A_48 : memref<10112x128xf32, #tpu.memory_space<vmem_shared>>)
        tpu.yield
      }) : () -> ()
      %while3A_36 = arith.constant 0 : i32
      scf.yield %while3A_36 : i32
    }
    %barrier3A_19 = arith.constant 0 : index
    tpu.barrier barrier_id(%barrier3A_19)
    %mul3A_20 = arith.constant 632 : i32
    %mul3A_21 = arith.muli %arg1, %mul3A_20 : i32
    %mul3A_22 = arith.constant 632 : i32
    %mul3A_23 = arith.muli %arg1, %mul3A_22 : i32
    "tpu.region"() ({
      %run_scoped3A = tpu.sem_alloc : memref<!tpu.dma_semaphore, #tpu.memory_space<semaphore_mem>>
      %dma_start3A = arith.constant 0 : i32
      %dma_start3A_24 = tpu.memref_slice %arg6[%arg0, %mul3A_23, %dma_start3A] : memref<2x10112x128xf32, #tpu.memory_space<hbm>> -> memref<1x632x128xf32, #tpu.memory_space<hbm>>
      %dma_start3A_25 = tpu.memref_squeeze %dma_start3A_24 : memref<1x632x128xf32, #tpu.memory_space<hbm>> -> memref<632x128xf32, #tpu.memory_space<hbm>>
      %dma_start3A_26 = arith.constant 0 : i32
      %dma_start3A_27 = tpu.memref_slice %arg7[%mul3A_21, %dma_start3A_26] : memref<10112x128xf32, #tpu.memory_space<vmem_shared>> -> memref<632x128xf32, #tpu.memory_space<vmem_shared>>
      tpu.enqueue_dma source(%dma_start3A_27 : memref<632x128xf32, #tpu.memory_space<vmem_shared>>) target(%dma_start3A_25 : memref<632x128xf32, #tpu.memory_space<hbm>>) target_semaphore(%run_scoped3A : memref<!tpu.dma_semaphore, #tpu.memory_space<semaphore_mem>>)
      %dma_wait3A = arith.constant 0 : i32
      %dma_wait3A_28 = tpu.memref_slice %arg6[%arg0, %mul3A_23, %dma_wait3A] : memref<2x10112x128xf32, #tpu.memory_space<hbm>> -> memref<1x632x128xf32, #tpu.memory_space<hbm>>
      %dma_wait3A_29 = tpu.memref_squeeze %dma_wait3A_28 : memref<1x632x128xf32, #tpu.memory_space<hbm>> -> memref<632x128xf32, #tpu.memory_space<hbm>>
      %dma_wait3A_30 = arith.constant 0 : i32
      %dma_wait3A_31 = tpu.memref_slice %arg7[%mul3A_21, %dma_wait3A_30] : memref<10112x128xf32, #tpu.memory_space<vmem_shared>> -> memref<632x128xf32, #tpu.memory_space<vmem_shared>>
      tpu.wait_dma2 semaphore(%run_scoped3A : memref<!tpu.dma_semaphore, #tpu.memory_space<semaphore_mem>>) src(%dma_wait3A_31 : memref<632x128xf32, #tpu.memory_space<vmem_shared>>) dst(%dma_wait3A_29 : memref<632x128xf32, #tpu.memory_space<hbm>>)
      tpu.yield
    }) : () -> ()
    return
  }
}

module attributes {stable_mosaic.version = 14 : i64} {
  func.func @_tc1_body(%arg0: i32, %arg1: memref<1000x128xf32, #tpu.memory_space<vmem>>, %arg2: memref<128x128xf32, #tpu.memory_space<vmem>>, %arg3: memref<1x1000x16xf32, #tpu.memory_space<vmem>>, %arg4: memref<1x1000x16xf32, #tpu.memory_space<vmem>>, %arg5: memref<1000x128xf32, #tpu.memory_space<vmem>>) attributes {dimension_semantics = [#tpu.dimension_semantics<arbitrary>], iteration_bounds = array<i64: 10>, scalar_prefetch = 0 : i64, scratch_operands = 0 : i64, tpu.core_type = #tpu.core_type<tc>, window_params = [{transform_indices = @transform_0, window_bounds = array<i64: 1000, 128>}, {pipeline_mode = #tpu.pipeline_mode<synchronous>, transform_indices = @transform_1, window_bounds = array<i64: 128, 128>}, {transform_indices = @transform_2, window_bounds = array<i64: 1, 1000, 16>}, {transform_indices = @transform_3, window_bounds = array<i64: 1, 1000, 16>}, {transform_indices = @transform_4, window_bounds = array<i64: 1000, 128>}]} {
    %get3A = arith.constant 0 : index
    %get3A_0 = arith.constant 0 : index
    %get3A_1 = arith.constant 0 : index
    %get3A_2 = vector.load %arg3[%get3A, %get3A_0, %get3A_1] : memref<1x1000x16xf32, #tpu.memory_space<vmem>>, vector<1x1000x16xf32>
    %get3A_3 = arith.constant 0 : index
    %get3A_4 = arith.constant 0 : index
    %get3A_5 = arith.constant 0 : index
    %get3A_6 = vector.load %arg4[%get3A_3, %get3A_4, %get3A_5] : memref<1x1000x16xf32, #tpu.memory_space<vmem>>, vector<1x1000x16xf32>
    %squeeze3A = vector.shape_cast %get3A_2 : vector<1x1000x16xf32> to vector<1000x16xf32>
    %slice3A = vector.extract_strided_slice %squeeze3A {offsets = [0, 0], sizes = [1000, 1], strides = [1, 1]} : vector<1000x16xf32> to vector<1000x1xf32>
    %squeeze3A_7 = vector.shape_cast %get3A_6 : vector<1x1000x16xf32> to vector<1000x16xf32>
    %slice3A_8 = vector.extract_strided_slice %squeeze3A_7 {offsets = [0, 0], sizes = [1000, 1], strides = [1, 1]} : vector<1000x16xf32> to vector<1000x1xf32>
    %add3A = arith.addf %slice3A, %slice3A_8 : vector<1000x1xf32>
    %add3A_9 = arith.constant 1.000000e+00 : f32
    %add3A_10 = vector.broadcast %add3A_9 : f32 to vector<1000x1xf32>
    %add3A_11 = arith.addf %add3A, %add3A_10 : vector<1000x1xf32>
    %rsqrt3A = math.rsqrt %add3A_11 : vector<1000x1xf32>
    %get3A_12 = arith.constant 0 : index
    %get3A_13 = arith.constant 0 : index
    %get3A_14 = vector.load %arg1[%get3A_12, %get3A_13] : memref<1000x128xf32, #tpu.memory_space<vmem>>, vector<1000x128xf32>
    %get3A_15 = arith.constant 0 : index
    %get3A_16 = arith.constant 0 : index
    %get3A_17 = vector.load %arg2[%get3A_15, %get3A_16] : memref<128x128xf32, #tpu.memory_space<vmem>>, vector<128x128xf32>
    %dot_general3A = arith.constant dense<0.000000e+00> : vector<1000x128xf32>
    %dot_general3A_18 = tpu.matmul %get3A_14, %get3A_17, %dot_general3A {dimension_numbers = #tpu.dot_dimension_numbers<[1], [0], [0], [1], [0, 0, 1, 1], [], []>, transpose_lhs_hint = false} : vector<1000x128xf32>, vector<128x128xf32>, vector<1000x128xf32> -> vector<1000x128xf32>
    %mul3A = vector.broadcast %rsqrt3A : vector<1000x1xf32> to vector<1000x128xf32>
    %mul3A_19 = arith.mulf %dot_general3A_18, %mul3A : vector<1000x128xf32>
    %swap3A = arith.constant 0 : index
    %swap3A_20 = arith.constant 0 : index
    %swap3A_21 = vector.load %arg5[%swap3A, %swap3A_20] : memref<1000x128xf32, #tpu.memory_space<vmem>>, vector<1000x128xf32>
    tpu.vector_store %arg5[%swap3A, %swap3A_20], %mul3A_19 {strides = array<i32>} : memref<1000x128xf32, #tpu.memory_space<vmem>>, vector<1000x128xf32>,
    return
  }
  func.func @transform_0(%arg0: i32) -> (i32, i32) {
    %c0_i32 = arith.constant 0 : i32
    %c0_i32_0 = arith.constant 0 : i32
    return %arg0, %c0_i32 : i32, i32
  }
  func.func @transform_1(%arg0: i32) -> (i32, i32) {
    %c0_i32 = arith.constant 0 : i32
    %c0_i32_0 = arith.constant 0 : i32
    %c0_i32_1 = arith.constant 0 : i32
    return %c0_i32, %c0_i32_0 : i32, i32
  }
  func.func @transform_2(%arg0: i32) -> (i32, i32, i32) {
    %c0_i32 = arith.constant 0 : i32
    %c0_i32_0 = arith.constant 0 : i32
    %c0_i32_1 = arith.constant 0 : i32
    return %c0_i32, %arg0, %c0_i32_0 : i32, i32, i32
  }
  func.func @transform_3(%arg0: i32) -> (i32, i32, i32) {
    %c1_i32 = arith.constant 1 : i32
    %c0_i32 = arith.constant 0 : i32
    %c0_i32_0 = arith.constant 0 : i32
    return %c1_i32, %arg0, %c0_i32 : i32, i32, i32
  }
  func.func @transform_4(%arg0: i32) -> (i32, i32) {
    %c0_i32 = arith.constant 0 : i32
    %c0_i32_0 = arith.constant 0 : i32
    return %arg0, %c0_i32 : i32, i32
  }
}

module attributes {stable_mosaic.version = 14 : i64} {
  func.func @_tc2_body(%arg0: i32, %arg1: memref<1x1000x128xf32, #tpu.memory_space<vmem>>, %arg2: memref<1x1000x128xf32, #tpu.memory_space<vmem>>, %arg3: memref<1000x128xf32, #tpu.memory_space<vmem>>, %arg4: memref<1x1000x16xf32, #tpu.memory_space<vmem>>, %arg5: memref<1x1000x16xf32, #tpu.memory_space<vmem>>, %arg6: memref<1x128xf32, #tpu.memory_space<vmem>>, %arg7: memref<128x128xf32, #tpu.memory_space<vmem>>, %arg8: memref<1000x128xf32, #tpu.memory_space<vmem>>) attributes {dimension_semantics = [#tpu.dimension_semantics<arbitrary>], iteration_bounds = array<i64: 10>, scalar_prefetch = 0 : i64, scratch_operands = 0 : i64, tpu.core_type = #tpu.core_type<tc>, window_params = [{transform_indices = @transform_0, window_bounds = array<i64: 1, 1000, 128>}, {transform_indices = @transform_1, window_bounds = array<i64: 1, 1000, 128>}, {transform_indices = @transform_2, window_bounds = array<i64: 1000, 128>}, {transform_indices = @transform_3, window_bounds = array<i64: 1, 1000, 16>}, {transform_indices = @transform_4, window_bounds = array<i64: 1, 1000, 16>}, {pipeline_mode = #tpu.pipeline_mode<synchronous>, transform_indices = @transform_5, window_bounds = array<i64: 1, 128>}, {pipeline_mode = #tpu.pipeline_mode<synchronous>, transform_indices = @transform_6, window_bounds = array<i64: 128, 128>}, {transform_indices = @transform_7, window_bounds = array<i64: 1000, 128>}]} {
    %get3A = arith.constant 0 : index
    %get3A_0 = arith.constant 0 : index
    %get3A_1 = arith.constant 0 : index
    %get3A_2 = vector.load %arg4[%get3A, %get3A_0, %get3A_1] : memref<1x1000x16xf32, #tpu.memory_space<vmem>>, vector<1x1000x16xf32>
    %get3A_3 = arith.constant 0 : index
    %get3A_4 = arith.constant 0 : index
    %get3A_5 = arith.constant 0 : index
    %get3A_6 = vector.load %arg5[%get3A_3, %get3A_4, %get3A_5] : memref<1x1000x16xf32, #tpu.memory_space<vmem>>, vector<1x1000x16xf32>
    %squeeze3A = vector.shape_cast %get3A_2 : vector<1x1000x16xf32> to vector<1000x16xf32>
    %slice3A = vector.extract_strided_slice %squeeze3A {offsets = [0, 0], sizes = [1000, 1], strides = [1, 1]} : vector<1000x16xf32> to vector<1000x1xf32>
    %squeeze3A_7 = vector.shape_cast %get3A_6 : vector<1x1000x16xf32> to vector<1000x16xf32>
    %slice3A_8 = vector.extract_strided_slice %squeeze3A_7 {offsets = [0, 0], sizes = [1000, 1], strides = [1, 1]} : vector<1000x16xf32> to vector<1000x1xf32>
    %add3A = arith.addf %slice3A, %slice3A_8 : vector<1000x1xf32>
    %add3A_9 = arith.constant 1.000000e+00 : f32
    %add3A_10 = vector.broadcast %add3A_9 : f32 to vector<1000x1xf32>
    %add3A_11 = arith.addf %add3A, %add3A_10 : vector<1000x1xf32>
    %rsqrt3A = math.rsqrt %add3A_11 : vector<1000x1xf32>
    %get3A_12 = arith.constant 0 : index
    %get3A_13 = arith.constant 0 : index
    %get3A_14 = arith.constant 0 : index
    %get3A_15 = vector.load %arg1[%get3A_12, %get3A_13, %get3A_14] : memref<1x1000x128xf32, #tpu.memory_space<vmem>>, vector<1x1000x128xf32>
    %get3A_16 = vector.shape_cast %get3A_15 : vector<1x1000x128xf32> to vector<1000x128xf32>
    %get3A_17 = arith.constant 0 : index
    %get3A_18 = arith.constant 0 : index
    %get3A_19 = arith.constant 0 : index
    %get3A_20 = vector.load %arg2[%get3A_17, %get3A_18, %get3A_19] : memref<1x1000x128xf32, #tpu.memory_space<vmem>>, vector<1x1000x128xf32>
    %get3A_21 = vector.shape_cast %get3A_20 : vector<1x1000x128xf32> to vector<1000x128xf32>
    %add3A_22 = arith.addf %get3A_16, %get3A_21 : vector<1000x128xf32>
    %get3A_23 = arith.constant 0 : index
    %get3A_24 = arith.constant 0 : index
    %get3A_25 = vector.load %arg3[%get3A_23, %get3A_24] : memref<1000x128xf32, #tpu.memory_space<vmem>>, vector<1000x128xf32>
    %add3A_26 = arith.addf %add3A_22, %get3A_25 : vector<1000x128xf32>
    %mul3A = vector.broadcast %rsqrt3A : vector<1000x1xf32> to vector<1000x128xf32>
    %mul3A_27 = arith.mulf %mul3A, %add3A_26 : vector<1000x128xf32>
    %get3A_28 = arith.constant 0 : index
    %get3A_29 = arith.constant 0 : index
    %get3A_30 = vector.load %arg6[%get3A_28, %get3A_29] : memref<1x128xf32, #tpu.memory_space<vmem>>, vector<1x128xf32>
    %add3A_31 = vector.broadcast %get3A_30 : vector<1x128xf32> to vector<1000x128xf32>
    %add3A_32 = arith.addf %mul3A_27, %add3A_31 : vector<1000x128xf32>
    %max3A = arith.constant 0.000000e+00 : f32
    %max3A_33 = vector.broadcast %max3A : f32 to vector<1000x128xf32>
    %max3A_34 = arith.maximumf %add3A_32, %max3A_33 : vector<1000x128xf32>
    %get3A_35 = arith.constant 0 : index
    %get3A_36 = arith.constant 0 : index
    %get3A_37 = vector.load %arg7[%get3A_35, %get3A_36] : memref<128x128xf32, #tpu.memory_space<vmem>>, vector<128x128xf32>
    %dot_general3A = arith.constant dense<0.000000e+00> : vector<1000x128xf32>
    %dot_general3A_38 = tpu.matmul %max3A_34, %get3A_37, %dot_general3A {dimension_numbers = #tpu.dot_dimension_numbers<[1], [0], [0], [1], [0, 0, 1, 1], [], []>, transpose_lhs_hint = false} : vector<1000x128xf32>, vector<128x128xf32>, vector<1000x128xf32> -> vector<1000x128xf32>
    %mul3A_39 = vector.broadcast %rsqrt3A : vector<1000x1xf32> to vector<1000x128xf32>
    %mul3A_40 = arith.mulf %dot_general3A_38, %mul3A_39 : vector<1000x128xf32>
    %swap3A = arith.constant 0 : index
    %swap3A_41 = arith.constant 0 : index
    %swap3A_42 = vector.load %arg8[%swap3A, %swap3A_41] : memref<1000x128xf32, #tpu.memory_space<vmem>>, vector<1000x128xf32>
    tpu.vector_store %arg8[%swap3A, %swap3A_41], %mul3A_40 {strides = array<i32>} : memref<1000x128xf32, #tpu.memory_space<vmem>>, vector<1000x128xf32>,
    return
  }
  func.func @transform_0(%arg0: i32) -> (i32, i32, i32) {
    %c0_i32 = arith.constant 0 : i32
    %c0_i32_0 = arith.constant 0 : i32
    %c0_i32_1 = arith.constant 0 : i32
    return %c0_i32, %arg0, %c0_i32_0 : i32, i32, i32
  }
  func.func @transform_1(%arg0: i32) -> (i32, i32, i32) {
    %c1_i32 = arith.constant 1 : i32
    %c0_i32 = arith.constant 0 : i32
    %c0_i32_0 = arith.constant 0 : i32
    return %c1_i32, %arg0, %c0_i32 : i32, i32, i32
  }
  func.func @transform_2(%arg0: i32) -> (i32, i32) {
    %c0_i32 = arith.constant 0 : i32
    %c0_i32_0 = arith.constant 0 : i32
    return %arg0, %c0_i32 : i32, i32
  }
  func.func @transform_3(%arg0: i32) -> (i32, i32, i32) {
    %c0_i32 = arith.constant 0 : i32
    %c0_i32_0 = arith.constant 0 : i32
    %c0_i32_1 = arith.constant 0 : i32
    return %c0_i32, %arg0, %c0_i32_0 : i32, i32, i32
  }
  func.func @transform_4(%arg0: i32) -> (i32, i32, i32) {
    %c1_i32 = arith.constant 1 : i32
    %c0_i32 = arith.constant 0 : i32
    %c0_i32_0 = arith.constant 0 : i32
    return %c1_i32, %arg0, %c0_i32 : i32, i32, i32
  }
  func.func @transform_5(%arg0: i32) -> (i32, i32) {
    %c0_i32 = arith.constant 0 : i32
    %c0_i32_0 = arith.constant 0 : i32
    %c0_i32_1 = arith.constant 0 : i32
    return %c0_i32, %c0_i32_0 : i32, i32
  }
  func.func @transform_6(%arg0: i32) -> (i32, i32) {
    %c0_i32 = arith.constant 0 : i32
    %c0_i32_0 = arith.constant 0 : i32
    %c0_i32_1 = arith.constant 0 : i32
    return %c0_i32, %c0_i32_0 : i32, i32
  }
  func.func @transform_7(%arg0: i32) -> (i32, i32) {
    %c0_i32 = arith.constant 0 : i32
    %c0_i32_0 = arith.constant 0 : i32
    return %arg0, %c0_i32 : i32, i32
  }
}

module attributes {stable_mosaic.version = 14 : i64} {
  func.func @_tc3_body(%arg0: i32, %arg1: memref<1x1000x128xf32, #tpu.memory_space<vmem>>, %arg2: memref<1x1000x128xf32, #tpu.memory_space<vmem>>, %arg3: memref<1000x128xf32, #tpu.memory_space<vmem>>, %arg4: memref<1x1000x16xf32, #tpu.memory_space<vmem>>, %arg5: memref<1x1000x16xf32, #tpu.memory_space<vmem>>, %arg6: memref<1x128xf32, #tpu.memory_space<vmem>>, %arg7: memref<1x1x1000xi32, #tpu.memory_space<vmem>>, %arg8: memref<128x64xf32, #tpu.memory_space<vmem>>, %arg9: memref<1x64xf32, #tpu.memory_space<vmem>>, %arg10: memref<64x128xf32, #tpu.memory_space<vmem>>, %arg11: memref<1x128xf32, #tpu.memory_space<vmem>>, %arg12: memref<64x128xf32, #tpu.memory_space<vmem>>, %arg13: memref<64x128xf32, #tpu.memory_space<vmem>>, %arg14: memref<64x128xf32, #tpu.memory_space<vmem>>) attributes {dimension_semantics = [#tpu.dimension_semantics<arbitrary>], iteration_bounds = array<i64: 10>, scalar_prefetch = 0 : i64, scratch_operands = 2 : i64, tpu.core_type = #tpu.core_type<tc>, window_params = [{transform_indices = @transform_0, window_bounds = array<i64: 1, 1000, 128>}, {transform_indices = @transform_1, window_bounds = array<i64: 1, 1000, 128>}, {transform_indices = @transform_2, window_bounds = array<i64: 1000, 128>}, {transform_indices = @transform_3, window_bounds = array<i64: 1, 1000, 16>}, {transform_indices = @transform_4, window_bounds = array<i64: 1, 1000, 16>}, {pipeline_mode = #tpu.pipeline_mode<synchronous>, transform_indices = @transform_5, window_bounds = array<i64: 1, 128>}, {transform_indices = @transform_6, window_bounds = array<i64: 1, 1, 1000>}, {pipeline_mode = #tpu.pipeline_mode<synchronous>, transform_indices = @transform_7, window_bounds = array<i64: 128, 64>}, {pipeline_mode = #tpu.pipeline_mode<synchronous>, transform_indices = @transform_8, window_bounds = array<i64: 1, 64>}, {pipeline_mode = #tpu.pipeline_mode<synchronous>, transform_indices = @transform_9, window_bounds = array<i64: 64, 128>}, {pipeline_mode = #tpu.pipeline_mode<synchronous>, transform_indices = @transform_10, window_bounds = array<i64: 1, 128>}, {pipeline_mode = #tpu.pipeline_mode<synchronous>, transform_indices = @transform_11, window_bounds = array<i64: 64, 128>}]} {
    %get3A = arith.constant 0 : index
    %get3A_0 = arith.constant 0 : index
    %get3A_1 = arith.constant 0 : index
    %get3A_2 = vector.load %arg4[%get3A, %get3A_0, %get3A_1] : memref<1x1000x16xf32, #tpu.memory_space<vmem>>, vector<1x1000x16xf32>
    %get3A_3 = arith.constant 0 : index
    %get3A_4 = arith.constant 0 : index
    %get3A_5 = arith.constant 0 : index
    %get3A_6 = vector.load %arg5[%get3A_3, %get3A_4, %get3A_5] : memref<1x1000x16xf32, #tpu.memory_space<vmem>>, vector<1x1000x16xf32>
    %squeeze3A = vector.shape_cast %get3A_2 : vector<1x1000x16xf32> to vector<1000x16xf32>
    %slice3A = vector.extract_strided_slice %squeeze3A {offsets = [0, 0], sizes = [1000, 1], strides = [1, 1]} : vector<1000x16xf32> to vector<1000x1xf32>
    %squeeze3A_7 = vector.shape_cast %get3A_6 : vector<1x1000x16xf32> to vector<1000x16xf32>
    %slice3A_8 = vector.extract_strided_slice %squeeze3A_7 {offsets = [0, 0], sizes = [1000, 1], strides = [1, 1]} : vector<1000x16xf32> to vector<1000x1xf32>
    %add3A = arith.addf %slice3A, %slice3A_8 : vector<1000x1xf32>
    %add3A_9 = arith.constant 1.000000e+00 : f32
    %add3A_10 = vector.broadcast %add3A_9 : f32 to vector<1000x1xf32>
    %add3A_11 = arith.addf %add3A, %add3A_10 : vector<1000x1xf32>
    %rsqrt3A = math.rsqrt %add3A_11 : vector<1000x1xf32>
    %get3A_12 = arith.constant 0 : index
    %get3A_13 = arith.constant 0 : index
    %get3A_14 = arith.constant 0 : index
    %get3A_15 = vector.load %arg1[%get3A_12, %get3A_13, %get3A_14] : memref<1x1000x128xf32, #tpu.memory_space<vmem>>, vector<1x1000x128xf32>
    %get3A_16 = vector.shape_cast %get3A_15 : vector<1x1000x128xf32> to vector<1000x128xf32>
    %get3A_17 = arith.constant 0 : index
    %get3A_18 = arith.constant 0 : index
    %get3A_19 = arith.constant 0 : index
    %get3A_20 = vector.load %arg2[%get3A_17, %get3A_18, %get3A_19] : memref<1x1000x128xf32, #tpu.memory_space<vmem>>, vector<1x1000x128xf32>
    %get3A_21 = vector.shape_cast %get3A_20 : vector<1x1000x128xf32> to vector<1000x128xf32>
    %add3A_22 = arith.addf %get3A_16, %get3A_21 : vector<1000x128xf32>
    %get3A_23 = arith.constant 0 : index
    %get3A_24 = arith.constant 0 : index
    %get3A_25 = vector.load %arg3[%get3A_23, %get3A_24] : memref<1000x128xf32, #tpu.memory_space<vmem>>, vector<1000x128xf32>
    %add3A_26 = arith.addf %add3A_22, %get3A_25 : vector<1000x128xf32>
    %mul3A = vector.broadcast %rsqrt3A : vector<1000x1xf32> to vector<1000x128xf32>
    %mul3A_27 = arith.mulf %mul3A, %add3A_26 : vector<1000x128xf32>
    %get3A_28 = arith.constant 0 : index
    %get3A_29 = arith.constant 0 : index
    %get3A_30 = vector.load %arg6[%get3A_28, %get3A_29] : memref<1x128xf32, #tpu.memory_space<vmem>>, vector<1x128xf32>
    %add3A_31 = vector.broadcast %get3A_30 : vector<1x128xf32> to vector<1000x128xf32>
    %add3A_32 = arith.addf %mul3A_27, %add3A_31 : vector<1000x128xf32>
    %max3A = arith.constant 0.000000e+00 : f32
    %max3A_33 = vector.broadcast %max3A : f32 to vector<1000x128xf32>
    %max3A_34 = arith.maximumf %add3A_32, %max3A_33 : vector<1000x128xf32>
    %eq3A = arith.constant 0 : i32
    %eq3A_35 = arith.cmpi eq, %arg0, %eq3A : i32
    %convert_element_type3A = arith.extui %eq3A_35 : i1 to i32
    %cond3A = arith.constant 0 : i32
    %cond3A_36 = arith.cmpi ne, %convert_element_type3A, %cond3A : i32
    scf.if %cond3A_36 {
      %broadcast_in_dim3A_69 = arith.constant 0.000000e+00 : f32
      %broadcast_in_dim3A_70 = vector.broadcast %broadcast_in_dim3A_69 : f32 to vector<64x128xf32>
      %swap3A_71 = arith.constant 0 : index
      %swap3A_72 = arith.constant 0 : index
      %swap3A_73 = vector.load %arg13[%swap3A_71, %swap3A_72] : memref<64x128xf32, #tpu.memory_space<vmem>>, vector<64x128xf32>
      tpu.vector_store %arg13[%swap3A_71, %swap3A_72], %broadcast_in_dim3A_70 {strides = array<i32>} : memref<64x128xf32, #tpu.memory_space<vmem>>, vector<64x128xf32>,
      %broadcast_in_dim3A_74 = arith.constant 0.000000e+00 : f32
      %broadcast_in_dim3A_75 = vector.broadcast %broadcast_in_dim3A_74 : f32 to vector<64x128xf32>
      %swap3A_76 = arith.constant 0 : index
      %swap3A_77 = arith.constant 0 : index
      %swap3A_78 = vector.load %arg14[%swap3A_76, %swap3A_77] : memref<64x128xf32, #tpu.memory_space<vmem>>, vector<64x128xf32>
      tpu.vector_store %arg14[%swap3A_76, %swap3A_77], %broadcast_in_dim3A_75 {strides = array<i32>} : memref<64x128xf32, #tpu.memory_space<vmem>>, vector<64x128xf32>,
    } else {
    }
    %get3A_37 = arith.constant 0 : index
    %get3A_38 = arith.constant 0 : index
    %get3A_39 = arith.constant 0 : index
    %get3A_40 = vector.load %arg7[%get3A_37, %get3A_38, %get3A_39] : memref<1x1x1000xi32, #tpu.memory_space<vmem>>, vector<1x1x1000xi32>
    %get3A_41 = vector.shape_cast %get3A_40 : vector<1x1x1000xi32> to vector<1000xi32>
    %iota3A = tpu.iota {dimensions = array<i32: 0>} : vector<64x1000xi32>
    %broadcast_in_dim3A = vector.shape_cast %get3A_41 : vector<1000xi32> to vector<1x1000xi32>
    %eq3A_42 = vector.broadcast %broadcast_in_dim3A : vector<1x1000xi32> to vector<64x1000xi32>
    %eq3A_43 = arith.cmpi eq, %eq3A_42, %iota3A : vector<64x1000xi32>
    %convert_element_type3A_44 = arith.extui %eq3A_43 : vector<64x1000xi1> to vector<64x1000xi32>
    %convert_element_type3A_45 = arith.sitofp %convert_element_type3A_44 : vector<64x1000xi32> to vector<64x1000xf32>
    %get3A_46 = arith.constant 0 : index
    %get3A_47 = arith.constant 0 : index
    %get3A_48 = vector.load %arg13[%get3A_46, %get3A_47] : memref<64x128xf32, #tpu.memory_space<vmem>>, vector<64x128xf32>
    %dot_general3A = arith.constant dense<0.000000e+00> : vector<64x128xf32>
    %dot_general3A_49 = tpu.matmul %convert_element_type3A_45, %max3A_34, %dot_general3A {dimension_numbers = #tpu.dot_dimension_numbers<[1], [0], [0], [1], [0, 0, 1, 1], [], []>, transpose_lhs_hint = false} : vector<64x1000xf32>, vector<1000x128xf32>, vector<64x128xf32> -> vector<64x128xf32>
    %add3A_50 = arith.addf %get3A_48, %dot_general3A_49 : vector<64x128xf32>
    %swap3A = arith.constant 0 : index
    %swap3A_51 = arith.constant 0 : index
    %swap3A_52 = vector.load %arg13[%swap3A, %swap3A_51] : memref<64x128xf32, #tpu.memory_space<vmem>>, vector<64x128xf32>
    tpu.vector_store %arg13[%swap3A, %swap3A_51], %add3A_50 {strides = array<i32>} : memref<64x128xf32, #tpu.memory_space<vmem>>, vector<64x128xf32>,
    %get3A_53 = arith.constant 0 : index
    %get3A_54 = arith.constant 0 : index
    %get3A_55 = vector.load %arg14[%get3A_53, %get3A_54] : memref<64x128xf32, #tpu.memory_space<vmem>>, vector<64x128xf32>
    %broadcast_in_dim3A_56 = arith.constant 1.000000e+00 : f32
    %broadcast_in_dim3A_57 = vector.broadcast %broadcast_in_dim3A_56 : f32 to vector<1000x128xf32>
    %dot_general3A_58 = arith.constant dense<0.000000e+00> : vector<64x128xf32>
    %dot_general3A_59 = tpu.matmul %convert_element_type3A_45, %broadcast_in_dim3A_57, %dot_general3A_58 {dimension_numbers = #tpu.dot_dimension_numbers<[1], [0], [0], [1], [0, 0, 1, 1], [], []>, transpose_lhs_hint = false} : vector<64x1000xf32>, vector<1000x128xf32>, vector<64x128xf32> -> vector<64x128xf32>
    %add3A_60 = arith.addf %get3A_55, %dot_general3A_59 : vector<64x128xf32>
    %swap3A_61 = arith.constant 0 : index
    %swap3A_62 = arith.constant 0 : index
    %swap3A_63 = vector.load %arg14[%swap3A_61, %swap3A_62] : memref<64x128xf32, #tpu.memory_space<vmem>>, vector<64x128xf32>
    tpu.vector_store %arg14[%swap3A_61, %swap3A_62], %add3A_60 {strides = array<i32>} : memref<64x128xf32, #tpu.memory_space<vmem>>, vector<64x128xf32>,
    %eq3A_64 = arith.constant 9 : i32
    %eq3A_65 = arith.cmpi eq, %arg0, %eq3A_64 : i32
    %convert_element_type3A_66 = arith.extui %eq3A_65 : i1 to i32
    %cond3A_67 = arith.constant 0 : i32
    %cond3A_68 = arith.cmpi ne, %convert_element_type3A_66, %cond3A_67 : i32
    scf.if %cond3A_68 {
      %get3A_69 = arith.constant 0 : index
      %get3A_70 = arith.constant 0 : index
      %get3A_71 = vector.load %arg13[%get3A_69, %get3A_70] : memref<64x128xf32, #tpu.memory_space<vmem>>, vector<64x128xf32>
      %get3A_72 = arith.constant 0 : index
      %get3A_73 = arith.constant 0 : index
      %get3A_74 = vector.load %arg14[%get3A_72, %get3A_73] : memref<64x128xf32, #tpu.memory_space<vmem>>, vector<64x128xf32>
      %max3A_75 = arith.constant 1.000000e+00 : f32
      %max3A_76 = vector.broadcast %max3A_75 : f32 to vector<64x128xf32>
      %max3A_77 = arith.maximumf %get3A_74, %max3A_76 : vector<64x128xf32>
      %div3A = arith.divf %get3A_71, %max3A_77 : vector<64x128xf32>
      %get3A_78 = arith.constant 0 : index
      %get3A_79 = arith.constant 0 : index
      %get3A_80 = vector.load %arg8[%get3A_78, %get3A_79] : memref<128x64xf32, #tpu.memory_space<vmem>>, vector<128x64xf32>
      %dot_general3A_81 = arith.constant dense<0.000000e+00> : vector<64x64xf32>
      %dot_general3A_82 = tpu.matmul %div3A, %get3A_80, %dot_general3A_81 {dimension_numbers = #tpu.dot_dimension_numbers<[1], [0], [0], [1], [0, 0, 1, 1], [], []>, transpose_lhs_hint = false} : vector<64x128xf32>, vector<128x64xf32>, vector<64x64xf32> -> vector<64x64xf32>
      %get3A_83 = arith.constant 0 : index
      %get3A_84 = arith.constant 0 : index
      %get3A_85 = vector.load %arg9[%get3A_83, %get3A_84] : memref<1x64xf32, #tpu.memory_space<vmem>>, vector<1x64xf32>
      %add3A_86 = vector.broadcast %get3A_85 : vector<1x64xf32> to vector<64x64xf32>
      %add3A_87 = arith.addf %dot_general3A_82, %add3A_86 : vector<64x64xf32>
      %max3A_88 = arith.constant 0.000000e+00 : f32
      %max3A_89 = vector.broadcast %max3A_88 : f32 to vector<64x64xf32>
      %max3A_90 = arith.maximumf %add3A_87, %max3A_89 : vector<64x64xf32>
      %get3A_91 = arith.constant 0 : index
      %get3A_92 = arith.constant 0 : index
      %get3A_93 = vector.load %arg10[%get3A_91, %get3A_92] : memref<64x128xf32, #tpu.memory_space<vmem>>, vector<64x128xf32>
      %dot_general3A_94 = arith.constant dense<0.000000e+00> : vector<64x128xf32>
      %dot_general3A_95 = tpu.matmul %max3A_90, %get3A_93, %dot_general3A_94 {dimension_numbers = #tpu.dot_dimension_numbers<[1], [0], [0], [1], [0, 0, 1, 1], [], []>, transpose_lhs_hint = false} : vector<64x64xf32>, vector<64x128xf32>, vector<64x128xf32> -> vector<64x128xf32>
      %get3A_96 = arith.constant 0 : index
      %get3A_97 = arith.constant 0 : index
      %get3A_98 = vector.load %arg11[%get3A_96, %get3A_97] : memref<1x128xf32, #tpu.memory_space<vmem>>, vector<1x128xf32>
      %add3A_99 = vector.broadcast %get3A_98 : vector<1x128xf32> to vector<64x128xf32>
      %add3A_100 = arith.addf %dot_general3A_95, %add3A_99 : vector<64x128xf32>
      %swap3A_101 = arith.constant 0 : index
      %swap3A_102 = arith.constant 0 : index
      %swap3A_103 = vector.load %arg12[%swap3A_101, %swap3A_102] : memref<64x128xf32, #tpu.memory_space<vmem>>, vector<64x128xf32>
      tpu.vector_store %arg12[%swap3A_101, %swap3A_102], %add3A_100 {strides = array<i32>} : memref<64x128xf32, #tpu.memory_space<vmem>>, vector<64x128xf32>,
    } else {
    }
    return
  }
  func.func @transform_0(%arg0: i32) -> (i32, i32, i32) {
    %c0_i32 = arith.constant 0 : i32
    %c0_i32_0 = arith.constant 0 : i32
    %c0_i32_1 = arith.constant 0 : i32
    return %c0_i32, %arg0, %c0_i32_0 : i32, i32, i32
  }
  func.func @transform_1(%arg0: i32) -> (i32, i32, i32) {
    %c1_i32 = arith.constant 1 : i32
    %c0_i32 = arith.constant 0 : i32
    %c0_i32_0 = arith.constant 0 : i32
    return %c1_i32, %arg0, %c0_i32 : i32, i32, i32
  }
  func.func @transform_2(%arg0: i32) -> (i32, i32) {
    %c0_i32 = arith.constant 0 : i32
    %c0_i32_0 = arith.constant 0 : i32
    return %arg0, %c0_i32 : i32, i32
  }
  func.func @transform_3(%arg0: i32) -> (i32, i32, i32) {
    %c0_i32 = arith.constant 0 : i32
    %c0_i32_0 = arith.constant 0 : i32
    %c0_i32_1 = arith.constant 0 : i32
    return %c0_i32, %arg0, %c0_i32_0 : i32, i32, i32
  }
  func.func @transform_4(%arg0: i32) -> (i32, i32, i32) {
    %c1_i32 = arith.constant 1 : i32
    %c0_i32 = arith.constant 0 : i32
    %c0_i32_0 = arith.constant 0 : i32
    return %c1_i32, %arg0, %c0_i32 : i32, i32, i32
  }
  func.func @transform_5(%arg0: i32) -> (i32, i32) {
    %c0_i32 = arith.constant 0 : i32
    %c0_i32_0 = arith.constant 0 : i32
    %c0_i32_1 = arith.constant 0 : i32
    return %c0_i32, %c0_i32_0 : i32, i32
  }
  func.func @transform_6(%arg0: i32) -> (i32, i32, i32) {
    %c0_i32 = arith.constant 0 : i32
    %c0_i32_0 = arith.constant 0 : i32
    %c0_i32_1 = arith.constant 0 : i32
    return %arg0, %c0_i32, %c0_i32_0 : i32, i32, i32
  }
  func.func @transform_7(%arg0: i32) -> (i32, i32) {
    %c0_i32 = arith.constant 0 : i32
    %c0_i32_0 = arith.constant 0 : i32
    %c0_i32_1 = arith.constant 0 : i32
    return %c0_i32, %c0_i32_0 : i32, i32
  }
  func.func @transform_8(%arg0: i32) -> (i32, i32) {
    %c0_i32 = arith.constant 0 : i32
    %c0_i32_0 = arith.constant 0 : i32
    %c0_i32_1 = arith.constant 0 : i32
    return %c0_i32, %c0_i32_0 : i32, i32
  }
  func.func @transform_9(%arg0: i32) -> (i32, i32) {
    %c0_i32 = arith.constant 0 : i32
    %c0_i32_0 = arith.constant 0 : i32
    %c0_i32_1 = arith.constant 0 : i32
    return %c0_i32, %c0_i32_0 : i32, i32
  }
  func.func @transform_10(%arg0: i32) -> (i32, i32) {
    %c0_i32 = arith.constant 0 : i32
    %c0_i32_0 = arith.constant 0 : i32
    %c0_i32_1 = arith.constant 0 : i32
    return %c0_i32, %c0_i32_0 : i32, i32
  }
  func.func @transform_11(%arg0: i32) -> (i32, i32) {
    %c0_i32 = arith.constant 0 : i32
    %c0_i32_0 = arith.constant 0 : i32
    %c0_i32_1 = arith.constant 0 : i32
    return %c0_i32, %c0_i32_0 : i32, i32
  }
}

</mosaic_0001>

<sc_bundles>
// kernel: kernel.11.cloned.1.call-start
scs
__scs_entry_jumppad:
0x0: {  	(pc) =	sbr.rel $0x88, $3  }
0x1: {  	(tag) =	ssettag $0x0;
	lr =	simm.s32 $0x1  }
0x2: {  	[smem:$0x3F96] =	sst lr;
	_ =	strace $0xD0000000  }
0x3: {  	_ = 	snop  }
0x4: {  	_ = 	snop  }
0x5: {  	_ = 	snop  }
0x6: {  	_ = 	snop  }
0x7: {  	_ = 	snop  }
__scs_overlays_trampoline_lowered:
0x8: {  	[smem:$0x3FA5] =	sst s0  }
0x9: {  	[smem:$0x3FA6] =	sst s1  }
0xa: {  	[smem:$0x3FA7] =	sst s2  }
0xb: {  	[smem:$0x3FA8] =	sst s3  }
0xc: {  	[smem:$0x3FA9] =	sst s4  }
0xd: {  	[smem:$0x3FAA] =	sst s5  }
0xe: {  	[smem:$0x3FAB] =	sst s6  }
0xf: {  	[smem:$0x3FAC] =	sst s7  }
0x10: {  	[smem:$0x3FAD] =	sst s8  }
0x11: {  	[smem:$0x3FAE] =	sst s9;
	s0 =	simm.s32 @!p0 $0x0  }
0x12: {  	s1 =	sld [smem:$0x3F94];
	s0 =	simm.s32 @p0 $0x1  }
0x13: {  	[smem:$0x3FAF] =	sst s0;
	s0 =	simm.s32 @!p1 $0x0  }
0x14: {  	s2 =	sld [smem:$0x3F93];
	s0 =	simm.s32 @p1 $0x1  }
0x15: {  	[smem:$0x3FB0] =	sst s0;
	s0 =	simm.s32 @!p2 $0x0  }
0x16: {  	s3 =	sld [smem:$0x3FDB];
	s0 =	simm.s32 @p2 $0x1  }
0x17: {  	s4 =	simm.s32 $0x1BF5;
	[smem:$0x3FB2] =	sst s0  }
0x18: {  	s0 =	sld [smem:$0x3F95];
	_ =	swait.ge [sflag:s4], $0x0  }
0x19: {  	s7 =	sld [smem:$0x3F96]  }
0x1a: {  	s8 =	sadd.s32 $0xFFFFE003, lr  }
0x1b: {  	s9 =	sadd.s32 $0xFFFFFEF7, lr;
	s5 =	simm.s32 $0xFFFFFFFF;
	p2 =	slt.u32 s8, $0xFFFFF086  }
0x1c: {  	p1 =	slt.u32 s9, $0xF7A;
	s5 =	simm.s32 @!p2 $0x0  }
0x1d: {  	s5 =	simm.s32 @p1 $0x1;
	p0 =	seq.s32 s7, s2  }
0x1e: {  	s7 =	smul.u32 @!p0 $0xF7A, s2;
	p2 =	seq.s32 @!p0 s5, $0x0  }
0x1f: {  	s9 =	smul.u32 $0xF7A, s1;
	s8 =	simm.s32 @!p0 $0x1BF5;
	p2 =	por !p2, p0  }
0x20: {  	[sflag:s8] =	ssyncset.s32 @!p0 $0xFFFFF086;
	s6 =	sadd.s32 @!p0 s3, s7;
	s7 =	simm.s32 @!p0 $0x108  }
0x21: {  	s3 =	sadd.s32 s3, s9;
	s6 =	sadd.s32 @!p0 $0x88, s6;
	s7 =	simm.s32 @p2 $0x1082  }
0x22: {  	[simem:s7], [sflag:s8] =	dma.local @!p0 [hbm:s6], $0xF7A  }
0x23: {  	s9 =	sor.u32 $0xD0000000, s2;
	s6 =	simm.s32 $0x108;
	_ =	swait.ge @!p0 [sflag:s8], $0x0  }
0x24: {  	s3 =	sadd.s32 $0x88, s3;
	s6 =	simm.s32 @!p1 $0x1082;
	[sflag:s4] =	ssyncset.s32 $0xFFFFF086  }
0x25: {  	[simem:s6], [sflag:s4] =	dma.local [hbm:s3], $0xF7A  }
0x26: {  	[smem:$0x3F96] =	sst s1;
	(tag) =	ssettag s2;
	_ =	strace s9  }
0x27: {  	s1 =	sld [smem:$0x3FA6]  }
0x28: {  	s2 =	sld [smem:$0x3FA7]  }
0x29: {  	s4 =	sld [smem:$0x3FA9]  }
0x2a: {  	p0 =	seq.s32 s5, $0x0;
	s5 =	sld [smem:$0x3FAA]  }
0x2b: {  	s6 =	sld [smem:$0x3FAB]  }
0x2c: {  	s7 =	sld [smem:$0x3FAC]  }
0x2d: {  	s3 =	simm.s32 $0x108;
	s8 =	sld [smem:$0x3FAD]  }
0x2e: {  	s3 =	simm.s32 @!p0 $0x1082;
	s9 =	sld [smem:$0x3FAE]  }
0x2f: {  	lr =	sadd.s32 s0, s3;
	s0 =	sld [smem:$0x3FA5]  }
0x30: {  	s3 =	sld [smem:$0x3FA8]  }
0x31: {  	[smem:$0x3FB1] =	sst s10  }
0x32: {  	s10 =	sld [smem:$0x3FAF];
	_ =	sdelay $0x3  }
0x33: {  	p0 =	seq.s32 s10, $0x1;
	s10 =	sld [smem:$0x3FB1];
	_ =	sdelay $0x3  }
0x34: {  	[smem:$0x3FB1] =	sst s10  }
0x35: {  	s10 =	sld [smem:$0x3FB0];
	_ =	sdelay $0x3  }
0x36: {  	p1 =	seq.s32 s10, $0x1;
	s10 =	sld [smem:$0x3FB1];
	_ =	sdelay $0x3  }
0x37: {  	[smem:$0x3FB1] =	sst s10  }
0x38: {  	s10 =	sld [smem:$0x3FB2]  }
0x39: {  	_ = 	snop;
	(pc) =	sbr.ind lr, $3  }
0x3a: {  	_ = 	snop  }
0x3b: {  	_ = 	snop  }
0x3c: {  	p2 =	seq.s32 s10, $0x1;
	s10 =	sld [smem:$0x3FB1]  }
0x3d: {  	_ =	shalt  }
0x3e: {  	_ =	shalt  }
0x3f: {  	_ =	shalt  }
0x40: {  	_ =	shalt  }
0x41: {  	_ =	shalt  }
0x42: {  	_ =	shalt  }
0x43: {  	_ =	shalt  }
0x44: {  	_ =	shalt  }
0x45: {  	_ =	shalt  }
0x46: {  	_ =	shalt  }
0x47: {  	_ =	shalt  }
0x48: {  	_ =	shalt  }
0x49: {  	_ =	shalt  }
0x4a: {  	_ =	shalt  }
0x4b: {  	_ =	shalt  }
0x4c: {  	_ =	shalt  }
0x4d: {  	_ =	shalt  }
0x4e: {  	_ =	shalt  }
0x4f: {  	_ =	shalt  }
0x50: {  	_ =	shalt  }
0x51: {  	_ =	shalt  }
0x52: {  	_ =	shalt  }
0x53: {  	_ =	shalt  }
0x54: {  	_ =	shalt  }
0x55: {  	_ =	shalt  }
0x56: {  	_ =	shalt  }
0x57: {  	_ =	shalt  }
0x58: {  	_ =	shalt  }
0x59: {  	_ =	shalt  }
0x5a: {  	_ =	shalt  }
0x5b: {  	_ =	shalt  }
0x5c: {  	_ =	shalt  }
0x5d: {  	_ =	shalt  }
0x5e: {  	_ =	shalt  }
0x5f: {  	_ =	shalt  }
0x60: {  	_ =	shalt  }
0x61: {  	_ =	shalt  }
0x62: {  	_ =	shalt  }
0x63: {  	_ =	shalt  }
0x64: {  	_ =	shalt  }
0x65: {  	_ =	shalt  }
0x66: {  	_ =	shalt  }
0x67: {  	_ =	shalt  }
0x68: {  	_ =	shalt  }
0x69: {  	_ =	shalt  }
0x6a: {  	_ =	shalt  }
0x6b: {  	_ =	shalt  }
0x6c: {  	_ =	shalt  }
0x6d: {  	_ =	shalt  }
0x6e: {  	_ =	shalt  }
0x6f: {  	_ =	shalt  }
0x70: {  	_ =	shalt  }
0x71: {  	_ =	shalt  }
0x72: {  	_ =	shalt  }
0x73: {  	_ =	shalt  }
0x74: {  	_ =	shalt  }
0x75: {  	_ =	shalt  }
0x76: {  	_ =	shalt  }
0x77: {  	_ =	shalt  }
0x78: {  	_ =	shalt  }
0x79: {  	_ =	shalt  }
0x7a: {  	_ =	shalt  }
0x7b: {  	_ =	shalt  }
0x7c: {  	_ =	shalt  }
0x7d: {  	_ =	shalt  }
0x7e: {  	_ =	shalt  }
0x7f: {  	_ =	shalt  }
0x80: {  	_ =	shalt  }
0x81: {  	_ =	shalt  }
0x82: {  	_ =	shalt  }
0x83: {  	_ =	shalt  }
0x84: {  	_ =	shalt  }
0x85: {  	_ =	shalt  }
0x86: {  	_ =	shalt  }
0x87: {  	_ =	shalt  }
.Lfunc_end0:
.L_simem_size_0:
called_computation.1_lowered:
.L_overlay_start_0:
0x88: {  	s2 =	sld [smem:$0x3FD9]  }
0x89: {  	s3 =	sld [smem:$0x3FFE];
	_ =	sdelay $0x1  }
0x8a: {  	s1 =	srdreg.scid  }
0x8b: {  	s0 =	sand.u32 $0x1, s1  }
0x8c: {  	s16 =	sshll.u32 s0, $0xA;
	s2 =	sadd.s32 s3, s2  }
0x8d: {  	s2 =	sadd.s32 s2, s16  }
0x8e: {  	[smem:$0x3FBD] =	sst s2  }
0x8f: {  	_ = 	snop  }
0x90: {  	(tm) =	ssettm $0x1  }
0x91: {  	s17 =	sld [smem:$0x3FFB];
	_ =	sdelay $0x3  }
0x92: {  	_ =	strace s17  }
0x93: {  	s2 =	sld [smem:$0x3FFC];
	_ =	sdelay $0x3  }
0x94: {  	_ =	strace s2  }
0x95: {  	s2 =	sld [smem:$0x3FFD];
	_ =	sdelay $0x3  }
0x96: {  	_ =	strace s2  }
0x97: {  	_ =	strace $0x8FFFFFFF  }
0x98: {  	s18 =	sld [smem:$0x3FDB];
	_ =	sdelay $0x1  }
0x99: {  	s19 =	simm.s32 $_scs_section_size  }
0x9a: {  	s4 =	simm.s32 $_size__tile_overlayer_lowered;
	s5 =	simm.s32 $_tile_overlayer_lowered  }
0x9b: {  	s22 =	simm.s32 $0x1BFF;
	s21 =	sshll.u32 s5, $0x1;
	s2 =	sadd.s32 s19, s18  }
0x9c: {  	s6 =	simm.s32 $0x0;
	s20 =	sshll.u32 s4, $0x1;
	s4 =	sadd.s32 s21, s2  }
0x9d: {  	[timem:s6], [sflag:s22] =	dma.local [hbm:s4], s20  }
0x9e: {  	_ =	swait.ge [sflag:s22], s20  }
0x9f: {  	s3 =	ssub.s32 $0x0, s20;
	[sflag:s22] =	ssyncset.done $0x0  }
0xa0: {  	[sflag:s22] =	ssyncadd.s32 s3;
	_ =	sdelay $0x1  }
0xa1: {  	s23 =	simm.s32 $0x1B8B  }
0xa2: {  	_ =	swait.ge [sflag:s23], $0x1  }
0xa3: {  	[sflag:s23] =	ssyncset.done $0x0  }
0xa4: {  	s25 =	simm.s32 $0x1B8E;
	s24 =	sld [smem:$0x3FFE];
	[sflag:s23] =	ssyncadd.s32 $0xFFFFFFFF  }
0xa5: {  	s26 =	simm.s32 $execute0_lowered;
	[smem:$0x3FD2] =	sst s25  }
0xa6: {  	s4 =	sshll.u32 s26, $0x1;
	_ =	strace $0x80000049;
	[dreg:$0x1] =	wrdreg $0xFFFFFFFF  }
0xa7: {  	s28 =	simm.s32 $_size_execute0_lowered;
	s2 =	sadd.s32 s2, s4;
	[dreg:$0x0] =	wrdreg $0x0  }
0xa8: {  	s4 =	sshll.u32 s28, $0x1;
	[dreg:$0x2] =	wrdreg s2  }
0xa9: {  	[dreg:$0x3] =	wrdreg s4  }
0xaa: {  	[dreg:$0x4] =	wrdreg $0xC0  }
0xab: {  	_ =	task [dreg:s6], $0x5FFFF  }
0xac: {  	[dreg:$0x1] =	wrdreg $0xFFFFFFFF  }
0xad: {  	[dreg:$0x0] =	wrdreg $0x60  }
0xae: {  	[dreg:$0x2] =	wrdreg s24  }
0xaf: {  	[dreg:$0x3] =	wrdreg $0x0  }
0xb0: {  	[dreg:$0x4] =	wrdreg $0x9  }
0xb1: {  	_ =	task.clear_ibuf [dreg:s6], $0x5FFFF;
	_ =	strace $0x90000049  }
0xb2: {  	s29 =	simm.s32 $0x9;
	_ =	strace $0x8000004B  }
0xb3: {  	_ =	swait.ge [sflag:s29], $0x1  }
0xb4: {  	[sflag:s29] =	ssyncadd.s32 $0xFFFFFFFF  }
0xb5: {  	_ =	strace $0x9000004B  }
0xb6: {  	_ =	sfence  }
0xb7: {  	s30 =	sld [smem:$0x0];
	_ =	sdelay $0x2  }
0xb8: {  	s31 =	sshll.u32 s1, $0xD;
	s1 =	sshrl.u32 s1, $0x2  }
0xb9: {  	s3 =	sand.u32 $0x4000, s31;
	s1 =	sadd.s32 s1, s30  }
0xba: {  	s0 =	sor.u32 s3, s0;
	s1 =	sshll.u32 s1, $0x11  }
0xbb: {  	s0 =	sor.u32 s1, s0  }
0xbc: {  	s0 =	sadd.s32 $0x8F2B, s0  }
0xbd: {  	[sflag:s0] =	ssyncadd.remote.s32 $0x1  }
0xbe: {  	_ =	sfence.sel $0xFFFF  }
0xbf: {  	[dreg:$0x0] =	wrdreg $0xFFFFFFFF;
	(pc) =	sbr.abs _section_cstart, $3  }
0xc0: {  	[dreg:$0x1] =	wrdreg $0xFFFFFFFF  }
0xc1: {  	_ =	task.clear_ibuf [dreg:s6], $0x2FFFF;
	_ =	strace $0x9FFFFFFF  }
0xc2: {  	(tm) =	ssettm $0x7FFFFFFF  }
0xc3: {  	_ =	shalt  }
tec
execute0_lowered:
.L_overlay_start_1:
0x0: {  	(tag) =	ssettag $0x1  }
0x1: {  	s6 =	rddreg [dreg:$0x0];
	s0 =	srdreg.scid  }
0x2: {  	s2 =	rddreg [dreg:$0x1];
	s1 =	stileid.u32  }
0x3: {  	s3 =	simm.s32 $0x0;
	s14 =	simm.s32 $0x80;
	s15 =	simm.s32 $0x1B400  }
0x4: {  	s16 =	simm.s32 $0x1;
	s17 =	simm.s32 $0x0;
	s5 =	smul.u32 $0x7800, s1  }
0x5: {  	s7 =	sand.u32 $0x1, s0;
	s0 =	rddreg [dreg:$0x2];
	s28 =	smul.u32 $0x13C00, s1  }
0x6: {  	[smem:$0x7FF] =	sst s3;
	s30 =	smul.u32 $0x4F000, s1;
	s31 =	sshll.u32 s1, $0x6  }
0x7: {  	s4 =	ssub.s32 $0x0, s7;
	s8 =	smul.u32 $0x13C000, s7;
	_ =	strace $0x8000004A  }
0x8: {  	s10 =	ssub.s32 $0x2, s7;
	p0 =	seq.s32 s7, $0x0;
	s4 =	sand.u32 $0x3C00, s4  }
0x9: {  	s29 =	sshrl.u32 s10, $0x1;
	s12 =	sshrl.u32 s30, $0x2;
	s4 =	sadd.s32 s5, s4  }
0xa: {  	s8 =	sadd.s32 s28, s8;
	s5 =	sadd.s32 $0x2C00, s6;
	s10 =	ssub.s32 s10, s29  }
0xb: {  	s13 =	sadd.s32 s12, s2;
	s12 =	sor.u32 $0x1C02, s31;
	s9 =	sshrl.u32 s4, $0x3  }
0xc: {  	s4 =	sadd.s32 $0x79A00, s6;
	s8 =	sshrl.u32 s8, $0x3;
	s10 =	smax.u32 s10, $0x1  }
0xd: {  	s9 =	sadd.s32 s9, s6;
	s11 =	sadd.s32 s8, s6;
	s6 =	simm.s32 $0x78  }
0xe: {  	s13 =	sshrl.u32 s13, $0x3;
	s6 =	simm.s32 @!p0 $0x26;
	s7 =	sadd.s32 $0x6AA00, s9  }
0xf: {  	s8 =	sadd.s32 $0x5BA00, s9;
	s9 =	sadd.s32 $0xA0C00, s11;
	s11 =	simm.s32 $0x2  }
.LBB2_1:
0x10: {  	s18 =	simm.s32 $0x13C00  }
0x11: {  	[tilespmem:s18], [sflag:$0x2] =	stream.linear.gather [hbm4b:s7+s3], $0x3C00, $0x38;
	[tilespmem:$0x1F400] =	vst v63  }
0x12: {  	_ =	swait.ge [sflag:s11], $0x3C00  }
0x13: {  	[sflag:s11] =	ssyncset.done $0x0  }
0x14: {  	s19 =	simm.s32 $0x17800;
	[sflag:s11] =	ssyncadd.s32 $0xFFFFC400  }
0x15: {  	[tilespmem:s19], [sflag:$0x2] =	stream.linear.gather [hbm4b:s8+s3], $0x3C00, $0x38;
	[tilespmem:$0x1F400] =	vst v63  }
0x16: {  	_ =	swait.ge [sflag:s11], $0x3C00  }
0x17: {  	[sflag:s11] =	ssyncset.done $0x0  }
0x18: {  	[sflag:s11] =	ssyncadd.s32 $0xFFFFC400  }
0x19: {  	[spmem:s13], [sflag:s12] =	dma.local [hbm:s5], $0x2780  }
0x1a: {  	_ =	swait.ge [sflag:s11], $0x2780  }
0x1b: {  	[sflag:s11] =	ssyncset.done $0x0  }
0x1c: {  	[sflag:s11] =	ssyncadd.s32 $0xFFFFD880  }
0x1d: {  	[bflag:$0x0] =	sbarrier.arrive $0xFFFF  }
0x1e: {  	[tilespmem:s15], [sflag:$0x1] =	stream.indirect.gather [hbm4b:s4+s14], $0x80, s18, s14, $0xb8;
	[tilespmem:$0x1F400] =	vst v63  }
0x1f: {  	p0 =	sne.s32 s6, $0x1;
	_ =	swait.ge [sflag:s16], $0x4000  }
.Ltmp0:
0x20: {  	[sflag:s16] =	ssyncset.done $0x0;
	(pc) =	sbr.rel @!p0 .LBB2_3-.Ltmp0, $4  }
0x21: {  	[sflag:s16] =	ssyncadd.s32 $0xFFFFC000  }
0x22: {  	[spmem:s2] =	stream.indirect.scatter.add.f32 [tilespmem:s15], [sflag:$0x2], $0x80, s19, s14, $0xb8;
	[tilespmem:$0x1F400] =	vst v63  }
0x23: {  	_ =	swait.ge [sflag:s11], $0x4000  }
0x24: {  	s20 =	sadd.s32 $0xFFFFFFFF, s6;
	[sflag:s11] =	ssyncset.done $0x0  }
.LBB2_2:
0x25: {  	[sflag:s11] =	ssyncadd.s32 $0xFFFFC000;
	s18 =	sadd.s32 $0x80, s18;
	s19 =	sadd.s32 $0x80, s19  }
0x26: {  	[tilespmem:s15], [sflag:$0x1] =	stream.indirect.gather [hbm4b:s4+s14], $0x80, s18, s14, $0xb8;
	[tilespmem:$0x1F400] =	vst v63  }
0x27: {  	p0 =	sne.s32 s20, $0x1;
	s20 =	sadd.s32 $0xFFFFFFFF, s20;
	_ =	swait.ge [sflag:s16], $0x4000  }
.Ltmp1:
0x28: {  	[sflag:s16] =	ssyncset.done $0x0;
	(pc) =	sbr.rel @p0 .LBB2_2-.Ltmp1, $4  }
0x29: {  	[sflag:s16] =	ssyncadd.s32 $0xFFFFC000  }
0x2a: {  	[spmem:s2] =	stream.indirect.scatter.add.f32 [tilespmem:s15], [sflag:$0x2], $0x80, s19, s14, $0xb8;
	[tilespmem:$0x1F400] =	vst v63  }
0x2b: {  	_ =	swait.ge [sflag:s11], $0x4000  }
0x2c: {  	[sflag:s11] =	ssyncset.done $0x0  }
.LBB2_3:
0x2d: {  	s17 =	sadd.s32 $0x1, s17  }
0x2e: {  	[sflag:s11] =	ssyncadd.s32 $0xFFFFC000;
	p0 =	sne.s32 s17, s10  }
.Ltmp2:
0x2f: {  	[bflag:$0x0] =	sbarrier.arrive $0xFFFF;
	(pc) =	sbr.rel @p0 .LBB2_1-.Ltmp2, $4  }
0x30: {  	[hbm:s9], [sflag:s12] =	dma.local [spmem:s13], $0x2780  }
0x31: {  	_ =	swait.ge [sflag:s11], $0x2780  }
0x32: {  	[sflag:s11] =	ssyncset.done $0x0  }
0x33: {  	[sflag:s11] =	ssyncadd.s32 $0xFFFFD880  }
0x34: {  	_ =	sfence.sel $0x180000  }
0x35: {  	[bflag:$0x0] =	sbarrier.arrive $0xFFFF  }
0x36: {  	p0 =	sne.s32 s1, $0x0;
	_ =	strace $0x9000004A  }
0x37: {  	s0 =	sadd.s32 @!p0 $0x100000, s0;
	[bflag:$0x2] =	sbarrier.arrive $0xFFFF  }
0x38: {  	[sflag:s0] =	ssyncadd.tile.s32 @!p0 $0x1;
	_ =	shalt  }
.Lfunc_end2:
_tile_overlayer_lowered:
.L_overlay_start_2:
0x39: {  	(tag) =	ssettag $0x2  }
0x3a: {  	s0 =	rddreg [dreg:$0x0];
	s2 =	stileid.u32  }
0x3b: {  	s1 =	rddreg [dreg:$0x1];
	p0 =	sne.s32 s2, $0x0  }
0x3c: {  	s3 =	rddreg [dreg:$0x2];
	[bflag:$0x3] =	sbarrier.arrive $0xFFFF;
	s2 =	simm.s32 @!p0 $0x1C02  }
0x3d: {  	[timem:s3], [sflag:s2] =	dma.local @!p0 [hbm:s0], s1  }
0x3e: {  	s0 =	simm.s32 @!p0 $0x2  }
0x3f: {  	_ =	swait.ge @!p0 [sflag:s0], s1  }
0x40: {  	s1 =	ssub.s32 @!p0 $0x0, s1;
	[sflag:s0] =	ssyncset.done @!p0 $0x0  }
0x41: {  	[sflag:s0] =	ssyncadd.s32 @!p0 s1  }
0x42: {  	[bflag:$0x3] =	sbarrier.arrive $0xFFFF  }
0x43: {  	_ =	shalt  }

// kernel: kernel.14.cloned.1.call-start
scs
__scs_entry_jumppad:
0x0: {  	(pc) =	sbr.rel $0x88, $3  }
0x1: {  	(tag) =	ssettag $0x0;
	lr =	simm.s32 $0x1  }
0x2: {  	[smem:$0x3F96] =	sst lr;
	_ =	strace $0xD0000000  }
0x3: {  	_ = 	snop  }
0x4: {  	_ = 	snop  }
0x5: {  	_ = 	snop  }
0x6: {  	_ = 	snop  }
0x7: {  	_ = 	snop  }
__scs_overlays_trampoline_lowered:
0x8: {  	[smem:$0x3FA5] =	sst s0  }
0x9: {  	[smem:$0x3FA6] =	sst s1  }
0xa: {  	[smem:$0x3FA7] =	sst s2  }
0xb: {  	[smem:$0x3FA8] =	sst s3  }
0xc: {  	[smem:$0x3FA9] =	sst s4  }
0xd: {  	[smem:$0x3FAA] =	sst s5  }
0xe: {  	[smem:$0x3FAB] =	sst s6  }
0xf: {  	[smem:$0x3FAC] =	sst s7  }
0x10: {  	[smem:$0x3FAD] =	sst s8  }
0x11: {  	[smem:$0x3FAE] =	sst s9;
	s0 =	simm.s32 @!p0 $0x0  }
0x12: {  	s1 =	sld [smem:$0x3F94];
	s0 =	simm.s32 @p0 $0x1  }
0x13: {  	[smem:$0x3FAF] =	sst s0;
	s0 =	simm.s32 @!p1 $0x0  }
0x14: {  	s2 =	sld [smem:$0x3F93];
	s0 =	simm.s32 @p1 $0x1  }
0x15: {  	[smem:$0x3FB0] =	sst s0;
	s0 =	simm.s32 @!p2 $0x0  }
0x16: {  	s3 =	sld [smem:$0x3FDB];
	s0 =	simm.s32 @p2 $0x1  }
0x17: {  	s4 =	simm.s32 $0x1BF5;
	[smem:$0x3FB2] =	sst s0  }
0x18: {  	s0 =	sld [smem:$0x3F95];
	_ =	swait.ge [sflag:s4], $0x0  }
0x19: {  	s7 =	sld [smem:$0x3F96]  }
0x1a: {  	s8 =	sadd.s32 $0xFFFFE003, lr  }
0x1b: {  	s9 =	sadd.s32 $0xFFFFFEF7, lr;
	s5 =	simm.s32 $0xFFFFFFFF;
	p2 =	slt.u32 s8, $0xFFFFF086  }
0x1c: {  	p1 =	slt.u32 s9, $0xF7A;
	s5 =	simm.s32 @!p2 $0x0  }
0x1d: {  	s5 =	simm.s32 @p1 $0x1;
	p0 =	seq.s32 s7, s2  }
0x1e: {  	s7 =	smul.u32 @!p0 $0xF7A, s2;
	p2 =	seq.s32 @!p0 s5, $0x0  }
0x1f: {  	s9 =	smul.u32 $0xF7A, s1;
	s8 =	simm.s32 @!p0 $0x1BF5;
	p2 =	por !p2, p0  }
0x20: {  	[sflag:s8] =	ssyncset.s32 @!p0 $0xFFFFF086;
	s6 =	sadd.s32 @!p0 s3, s7;
	s7 =	simm.s32 @!p0 $0x108  }
0x21: {  	s3 =	sadd.s32 s3, s9;
	s6 =	sadd.s32 @!p0 $0x88, s6;
	s7 =	simm.s32 @p2 $0x1082  }
0x22: {  	[simem:s7], [sflag:s8] =	dma.local @!p0 [hbm:s6], $0xF7A  }
0x23: {  	s9 =	sor.u32 $0xD0000000, s2;
	s6 =	simm.s32 $0x108;
	_ =	swait.ge @!p0 [sflag:s8], $0x0  }
0x24: {  	s3 =	sadd.s32 $0x88, s3;
	s6 =	simm.s32 @!p1 $0x1082;
	[sflag:s4] =	ssyncset.s32 $0xFFFFF086  }
0x25: {  	[simem:s6], [sflag:s4] =	dma.local [hbm:s3], $0xF7A  }
0x26: {  	[smem:$0x3F96] =	sst s1;
	(tag) =	ssettag s2;
	_ =	strace s9  }
0x27: {  	s1 =	sld [smem:$0x3FA6]  }
0x28: {  	s2 =	sld [smem:$0x3FA7]  }
0x29: {  	s4 =	sld [smem:$0x3FA9]  }
0x2a: {  	p0 =	seq.s32 s5, $0x0;
	s5 =	sld [smem:$0x3FAA]  }
0x2b: {  	s6 =	sld [smem:$0x3FAB]  }
0x2c: {  	s7 =	sld [smem:$0x3FAC]  }
0x2d: {  	s3 =	simm.s32 $0x108;
	s8 =	sld [smem:$0x3FAD]  }
0x2e: {  	s3 =	simm.s32 @!p0 $0x1082;
	s9 =	sld [smem:$0x3FAE]  }
0x2f: {  	lr =	sadd.s32 s0, s3;
	s0 =	sld [smem:$0x3FA5]  }
0x30: {  	s3 =	sld [smem:$0x3FA8]  }
0x31: {  	[smem:$0x3FB1] =	sst s10  }
0x32: {  	s10 =	sld [smem:$0x3FAF];
	_ =	sdelay $0x3  }
0x33: {  	p0 =	seq.s32 s10, $0x1;
	s10 =	sld [smem:$0x3FB1];
	_ =	sdelay $0x3  }
0x34: {  	[smem:$0x3FB1] =	sst s10  }
0x35: {  	s10 =	sld [smem:$0x3FB0];
	_ =	sdelay $0x3  }
0x36: {  	p1 =	seq.s32 s10, $0x1;
	s10 =	sld [smem:$0x3FB1];
	_ =	sdelay $0x3  }
0x37: {  	[smem:$0x3FB1] =	sst s10  }
0x38: {  	s10 =	sld [smem:$0x3FB2]  }
0x39: {  	_ = 	snop;
	(pc) =	sbr.ind lr, $3  }
0x3a: {  	_ = 	snop  }
0x3b: {  	_ = 	snop  }
0x3c: {  	p2 =	seq.s32 s10, $0x1;
	s10 =	sld [smem:$0x3FB1]  }
0x3d: {  	_ =	shalt  }
0x3e: {  	_ =	shalt  }
0x3f: {  	_ =	shalt  }
0x40: {  	_ =	shalt  }
0x41: {  	_ =	shalt  }
0x42: {  	_ =	shalt  }
0x43: {  	_ =	shalt  }
0x44: {  	_ =	shalt  }
0x45: {  	_ =	shalt  }
0x46: {  	_ =	shalt  }
0x47: {  	_ =	shalt  }
0x48: {  	_ =	shalt  }
0x49: {  	_ =	shalt  }
0x4a: {  	_ =	shalt  }
0x4b: {  	_ =	shalt  }
0x4c: {  	_ =	shalt  }
0x4d: {  	_ =	shalt  }
0x4e: {  	_ =	shalt  }
0x4f: {  	_ =	shalt  }
0x50: {  	_ =	shalt  }
0x51: {  	_ =	shalt  }
0x52: {  	_ =	shalt  }
0x53: {  	_ =	shalt  }
0x54: {  	_ =	shalt  }
0x55: {  	_ =	shalt  }
0x56: {  	_ =	shalt  }
0x57: {  	_ =	shalt  }
0x58: {  	_ =	shalt  }
0x59: {  	_ =	shalt  }
0x5a: {  	_ =	shalt  }
0x5b: {  	_ =	shalt  }
0x5c: {  	_ =	shalt  }
0x5d: {  	_ =	shalt  }
0x5e: {  	_ =	shalt  }
0x5f: {  	_ =	shalt  }
0x60: {  	_ =	shalt  }
0x61: {  	_ =	shalt  }
0x62: {  	_ =	shalt  }
0x63: {  	_ =	shalt  }
0x64: {  	_ =	shalt  }
0x65: {  	_ =	shalt  }
0x66: {  	_ =	shalt  }
0x67: {  	_ =	shalt  }
0x68: {  	_ =	shalt  }
0x69: {  	_ =	shalt  }
0x6a: {  	_ =	shalt  }
0x6b: {  	_ =	shalt  }
0x6c: {  	_ =	shalt  }
0x6d: {  	_ =	shalt  }
0x6e: {  	_ =	shalt  }
0x6f: {  	_ =	shalt  }
0x70: {  	_ =	shalt  }
0x71: {  	_ =	shalt  }
0x72: {  	_ =	shalt  }
0x73: {  	_ =	shalt  }
0x74: {  	_ =	shalt  }
0x75: {  	_ =	shalt  }
0x76: {  	_ =	shalt  }
0x77: {  	_ =	shalt  }
0x78: {  	_ =	shalt  }
0x79: {  	_ =	shalt  }
0x7a: {  	_ =	shalt  }
0x7b: {  	_ =	shalt  }
0x7c: {  	_ =	shalt  }
0x7d: {  	_ =	shalt  }
0x7e: {  	_ =	shalt  }
0x7f: {  	_ =	shalt  }
0x80: {  	_ =	shalt  }
0x81: {  	_ =	shalt  }
0x82: {  	_ =	shalt  }
0x83: {  	_ =	shalt  }
0x84: {  	_ =	shalt  }
0x85: {  	_ =	shalt  }
0x86: {  	_ =	shalt  }
0x87: {  	_ =	shalt  }
.Lfunc_end0:
.L_simem_size_0:
called_computation.2_lowered:
.L_overlay_start_0:
0x88: {  	s2 =	sld [smem:$0x3FD9]  }
0x89: {  	s3 =	sld [smem:$0x3FFE];
	_ =	sdelay $0x1  }
0x8a: {  	s1 =	srdreg.scid  }
0x8b: {  	s0 =	sand.u32 $0x1, s1  }
0x8c: {  	s16 =	sshll.u32 s0, $0xA;
	s2 =	sadd.s32 s3, s2  }
0x8d: {  	s2 =	sadd.s32 s2, s16  }
0x8e: {  	[smem:$0x3FBD] =	sst s2  }
0x8f: {  	_ = 	snop  }
0x90: {  	(tm) =	ssettm $0x1  }
0x91: {  	s17 =	sld [smem:$0x3FFB];
	_ =	sdelay $0x3  }
0x92: {  	_ =	strace s17  }
0x93: {  	s2 =	sld [smem:$0x3FFC];
	_ =	sdelay $0x3  }
0x94: {  	_ =	strace s2  }
0x95: {  	s2 =	sld [smem:$0x3FFD];
	_ =	sdelay $0x3  }
0x96: {  	_ =	strace s2  }
0x97: {  	_ =	strace $0x8FFFFFFF  }
0x98: {  	s18 =	sld [smem:$0x3FDB];
	_ =	sdelay $0x1  }
0x99: {  	s19 =	simm.s32 $_scs_section_size  }
0x9a: {  	s4 =	simm.s32 $_size__tile_overlayer_lowered;
	s5 =	simm.s32 $_tile_overlayer_lowered  }
0x9b: {  	s22 =	simm.s32 $0x1BFF;
	s21 =	sshll.u32 s5, $0x1;
	s2 =	sadd.s32 s19, s18  }
0x9c: {  	s6 =	simm.s32 $0x0;
	s20 =	sshll.u32 s4, $0x1;
	s4 =	sadd.s32 s21, s2  }
0x9d: {  	[timem:s6], [sflag:s22] =	dma.local [hbm:s4], s20  }
0x9e: {  	_ =	swait.ge [sflag:s22], s20  }
0x9f: {  	s3 =	ssub.s32 $0x0, s20;
	[sflag:s22] =	ssyncset.done $0x0  }
0xa0: {  	[sflag:s22] =	ssyncadd.s32 s3;
	_ =	sdelay $0x1  }
0xa1: {  	s23 =	simm.s32 $0x1B8B  }
0xa2: {  	_ =	swait.ge [sflag:s23], $0x1  }
0xa3: {  	[sflag:s23] =	ssyncset.done $0x0  }
0xa4: {  	s25 =	simm.s32 $0x1B8E;
	s24 =	sld [smem:$0x3FFE];
	[sflag:s23] =	ssyncadd.s32 $0xFFFFFFFF  }
0xa5: {  	s26 =	simm.s32 $execute0_lowered;
	[smem:$0x3FD2] =	sst s25  }
0xa6: {  	s4 =	sshll.u32 s26, $0x1;
	_ =	strace $0x8000004C;
	[dreg:$0x1] =	wrdreg $0xFFFFFFFF  }
0xa7: {  	s28 =	simm.s32 $_size_execute0_lowered;
	s2 =	sadd.s32 s2, s4;
	[dreg:$0x0] =	wrdreg $0x0  }
0xa8: {  	s4 =	sshll.u32 s28, $0x1;
	[dreg:$0x2] =	wrdreg s2  }
0xa9: {  	[dreg:$0x3] =	wrdreg s4  }
0xaa: {  	[dreg:$0x4] =	wrdreg $0xC0  }
0xab: {  	_ =	task [dreg:s6], $0x5FFFF  }
0xac: {  	[dreg:$0x1] =	wrdreg $0xFFFFFFFF  }
0xad: {  	[dreg:$0x0] =	wrdreg $0x60  }
0xae: {  	[dreg:$0x2] =	wrdreg s24  }
0xaf: {  	[dreg:$0x3] =	wrdreg $0x0  }
0xb0: {  	[dreg:$0x4] =	wrdreg $0x9  }
0xb1: {  	_ =	task.clear_ibuf [dreg:s6], $0x5FFFF;
	_ =	strace $0x9000004C  }
0xb2: {  	s29 =	simm.s32 $0x9;
	_ =	strace $0x8000004E  }
0xb3: {  	_ =	swait.ge [sflag:s29], $0x1  }
0xb4: {  	[sflag:s29] =	ssyncadd.s32 $0xFFFFFFFF  }
0xb5: {  	_ =	strace $0x9000004E  }
0xb6: {  	_ =	sfence  }
0xb7: {  	s30 =	sld [smem:$0x0];
	_ =	sdelay $0x2  }
0xb8: {  	s31 =	sshll.u32 s1, $0xD;
	s1 =	sshrl.u32 s1, $0x2  }
0xb9: {  	s3 =	sand.u32 $0x4000, s31;
	s1 =	sadd.s32 s1, s30  }
0xba: {  	s0 =	sor.u32 s3, s0;
	s1 =	sshll.u32 s1, $0x11  }
0xbb: {  	s0 =	sor.u32 s1, s0  }
0xbc: {  	s0 =	sadd.s32 $0x8F2B, s0  }
0xbd: {  	[sflag:s0] =	ssyncadd.remote.s32 $0x1  }
0xbe: {  	_ =	sfence.sel $0xFFFF  }
0xbf: {  	[dreg:$0x0] =	wrdreg $0xFFFFFFFF;
	(pc) =	sbr.abs _section_cstart, $3  }
0xc0: {  	[dreg:$0x1] =	wrdreg $0xFFFFFFFF  }
0xc1: {  	_ =	task.clear_ibuf [dreg:s6], $0x2FFFF;
	_ =	strace $0x9FFFFFFF  }
0xc2: {  	(tm) =	ssettm $0x7FFFFFFF  }
0xc3: {  	_ =	shalt  }
tec
execute0_lowered:
.L_overlay_start_1:
0x0: {  	(tag) =	ssettag $0x1  }
0x1: {  	s6 =	rddreg [dreg:$0x0];
	s0 =	srdreg.scid  }
0x2: {  	s2 =	rddreg [dreg:$0x1];
	s1 =	stileid.u32  }
0x3: {  	s3 =	simm.s32 $0x0;
	s14 =	simm.s32 $0x80;
	s15 =	simm.s32 $0x1B400  }
0x4: {  	s16 =	simm.s32 $0x1;
	s17 =	simm.s32 $0x0;
	s5 =	smul.u32 $0x7800, s1  }
0x5: {  	s7 =	sand.u32 $0x1, s0;
	s0 =	rddreg [dreg:$0x2];
	s28 =	smul.u32 $0x13C00, s1  }
0x6: {  	[smem:$0x7FF] =	sst s3;
	s30 =	smul.u32 $0x4F000, s1;
	s31 =	sshll.u32 s1, $0x6  }
0x7: {  	s4 =	ssub.s32 $0x0, s7;
	s8 =	smul.u32 $0x13C000, s7;
	_ =	strace $0x8000004D  }
0x8: {  	s10 =	ssub.s32 $0x2, s7;
	p0 =	seq.s32 s7, $0x0;
	s4 =	sand.u32 $0x3C00, s4  }
0x9: {  	s29 =	sshrl.u32 s10, $0x1;
	s12 =	sshrl.u32 s30, $0x2;
	s4 =	sadd.s32 s5, s4  }
0xa: {  	s8 =	sadd.s32 s28, s8;
	s5 =	sadd.s32 $0x2C00, s6;
	s10 =	ssub.s32 s10, s29  }
0xb: {  	s13 =	sadd.s32 s12, s2;
	s12 =	sor.u32 $0x1C02, s31;
	s9 =	sshrl.u32 s4, $0x3  }
0xc: {  	s4 =	sadd.s32 $0x79A00, s6;
	s8 =	sshrl.u32 s8, $0x3;
	s10 =	smax.u32 s10, $0x1  }
0xd: {  	s9 =	sadd.s32 s9, s6;
	s11 =	sadd.s32 s8, s6;
	s6 =	simm.s32 $0x78  }
0xe: {  	s13 =	sshrl.u32 s13, $0x3;
	s6 =	simm.s32 @!p0 $0x26;
	s7 =	sadd.s32 $0x6AA00, s9  }
0xf: {  	s8 =	sadd.s32 $0x5BA00, s9;
	s9 =	sadd.s32 $0xA0C00, s11;
	s11 =	simm.s32 $0x2  }
.LBB2_1:
0x10: {  	s18 =	simm.s32 $0x13C00  }
0x11: {  	[tilespmem:s18], [sflag:$0x2] =	stream.linear.gather [hbm4b:s7+s3], $0x3C00, $0x38;
	[tilespmem:$0x1F400] =	vst v63  }
0x12: {  	_ =	swait.ge [sflag:s11], $0x3C00  }
0x13: {  	[sflag:s11] =	ssyncset.done $0x0  }
0x14: {  	s19 =	simm.s32 $0x17800;
	[sflag:s11] =	ssyncadd.s32 $0xFFFFC400  }
0x15: {  	[tilespmem:s19], [sflag:$0x2] =	stream.linear.gather [hbm4b:s8+s3], $0x3C00, $0x38;
	[tilespmem:$0x1F400] =	vst v63  }
0x16: {  	_ =	swait.ge [sflag:s11], $0x3C00  }
0x17: {  	[sflag:s11] =	ssyncset.done $0x0  }
0x18: {  	[sflag:s11] =	ssyncadd.s32 $0xFFFFC400  }
0x19: {  	[spmem:s13], [sflag:s12] =	dma.local [hbm:s5], $0x2780  }
0x1a: {  	_ =	swait.ge [sflag:s11], $0x2780  }
0x1b: {  	[sflag:s11] =	ssyncset.done $0x0  }
0x1c: {  	[sflag:s11] =	ssyncadd.s32 $0xFFFFD880  }
0x1d: {  	[bflag:$0x0] =	sbarrier.arrive $0xFFFF  }
0x1e: {  	[tilespmem:s15], [sflag:$0x1] =	stream.indirect.gather [hbm4b:s4+s14], $0x80, s18, s14, $0xb8;
	[tilespmem:$0x1F400] =	vst v63  }
0x1f: {  	p0 =	sne.s32 s6, $0x1;
	_ =	swait.ge [sflag:s16], $0x4000  }
.Ltmp0:
0x20: {  	[sflag:s16] =	ssyncset.done $0x0;
	(pc) =	sbr.rel @!p0 .LBB2_3-.Ltmp0, $4  }
0x21: {  	[sflag:s16] =	ssyncadd.s32 $0xFFFFC000  }
0x22: {  	[spmem:s2] =	stream.indirect.scatter.add.f32 [tilespmem:s15], [sflag:$0x2], $0x80, s19, s14, $0xb8;
	[tilespmem:$0x1F400] =	vst v63  }
0x23: {  	_ =	swait.ge [sflag:s11], $0x4000  }
0x24: {  	s20 =	sadd.s32 $0xFFFFFFFF, s6;
	[sflag:s11] =	ssyncset.done $0x0  }
.LBB2_2:
0x25: {  	[sflag:s11] =	ssyncadd.s32 $0xFFFFC000;
	s18 =	sadd.s32 $0x80, s18;
	s19 =	sadd.s32 $0x80, s19  }
0x26: {  	[tilespmem:s15], [sflag:$0x1] =	stream.indirect.gather [hbm4b:s4+s14], $0x80, s18, s14, $0xb8;
	[tilespmem:$0x1F400] =	vst v63  }
0x27: {  	p0 =	sne.s32 s20, $0x1;
	s20 =	sadd.s32 $0xFFFFFFFF, s20;
	_ =	swait.ge [sflag:s16], $0x4000  }
.Ltmp1:
0x28: {  	[sflag:s16] =	ssyncset.done $0x0;
	(pc) =	sbr.rel @p0 .LBB2_2-.Ltmp1, $4  }
0x29: {  	[sflag:s16] =	ssyncadd.s32 $0xFFFFC000  }
0x2a: {  	[spmem:s2] =	stream.indirect.scatter.add.f32 [tilespmem:s15], [sflag:$0x2], $0x80, s19, s14, $0xb8;
	[tilespmem:$0x1F400] =	vst v63  }
0x2b: {  	_ =	swait.ge [sflag:s11], $0x4000  }
0x2c: {  	[sflag:s11] =	ssyncset.done $0x0  }
.LBB2_3:
0x2d: {  	s17 =	sadd.s32 $0x1, s17  }
0x2e: {  	[sflag:s11] =	ssyncadd.s32 $0xFFFFC000;
	p0 =	sne.s32 s17, s10  }
.Ltmp2:
0x2f: {  	[bflag:$0x0] =	sbarrier.arrive $0xFFFF;
	(pc) =	sbr.rel @p0 .LBB2_1-.Ltmp2, $4  }
0x30: {  	[hbm:s9], [sflag:s12] =	dma.local [spmem:s13], $0x2780  }
0x31: {  	_ =	swait.ge [sflag:s11], $0x2780  }
0x32: {  	[sflag:s11] =	ssyncset.done $0x0  }
0x33: {  	[sflag:s11] =	ssyncadd.s32 $0xFFFFD880  }
0x34: {  	_ =	sfence.sel $0x180000  }
0x35: {  	[bflag:$0x0] =	sbarrier.arrive $0xFFFF  }
0x36: {  	p0 =	sne.s32 s1, $0x0;
	_ =	strace $0x9000004D  }
0x37: {  	s0 =	sadd.s32 @!p0 $0x100000, s0;
	[bflag:$0x2] =	sbarrier.arrive $0xFFFF  }
0x38: {  	[sflag:s0] =	ssyncadd.tile.s32 @!p0 $0x1;
	_ =	shalt  }
.Lfunc_end2:
_tile_overlayer_lowered:
.L_overlay_start_2:
0x39: {  	(tag) =	ssettag $0x2  }
0x3a: {  	s0 =	rddreg [dreg:$0x0];
	s2 =	stileid.u32  }
0x3b: {  	s1 =	rddreg [dreg:$0x1];
	p0 =	sne.s32 s2, $0x0  }
0x3c: {  	s3 =	rddreg [dreg:$0x2];
	[bflag:$0x3] =	sbarrier.arrive $0xFFFF;
	s2 =	simm.s32 @!p0 $0x1C02  }
0x3d: {  	[timem:s3], [sflag:s2] =	dma.local @!p0 [hbm:s0], s1  }
0x3e: {  	s0 =	simm.s32 @!p0 $0x2  }
0x3f: {  	_ =	swait.ge @!p0 [sflag:s0], s1  }
0x40: {  	s1 =	ssub.s32 @!p0 $0x0, s1;
	[sflag:s0] =	ssyncset.done @!p0 $0x0  }
0x41: {  	[sflag:s0] =	ssyncadd.s32 @!p0 s1  }
0x42: {  	[bflag:$0x3] =	sbarrier.arrive $0xFFFF  }
0x43: {  	_ =	shalt  }

// kernel: kernel.8.cloned.1.call-start
scs
__scs_entry_jumppad:
0x0: {  	(pc) =	sbr.rel $0x88, $3  }
0x1: {  	(tag) =	ssettag $0x0;
	lr =	simm.s32 $0x1  }
0x2: {  	[smem:$0x3F96] =	sst lr;
	_ =	strace $0xD0000000  }
0x3: {  	_ = 	snop  }
0x4: {  	_ = 	snop  }
0x5: {  	_ = 	snop  }
0x6: {  	_ = 	snop  }
0x7: {  	_ = 	snop  }
__scs_overlays_trampoline_lowered:
0x8: {  	[smem:$0x3FA5] =	sst s0  }
0x9: {  	[smem:$0x3FA6] =	sst s1  }
0xa: {  	[smem:$0x3FA7] =	sst s2  }
0xb: {  	[smem:$0x3FA8] =	sst s3  }
0xc: {  	[smem:$0x3FA9] =	sst s4  }
0xd: {  	[smem:$0x3FAA] =	sst s5  }
0xe: {  	[smem:$0x3FAB] =	sst s6  }
0xf: {  	[smem:$0x3FAC] =	sst s7  }
0x10: {  	[smem:$0x3FAD] =	sst s8  }
0x11: {  	[smem:$0x3FAE] =	sst s9;
	s0 =	simm.s32 @!p0 $0x0  }
0x12: {  	s1 =	sld [smem:$0x3F94];
	s0 =	simm.s32 @p0 $0x1  }
0x13: {  	[smem:$0x3FAF] =	sst s0;
	s0 =	simm.s32 @!p1 $0x0  }
0x14: {  	s2 =	sld [smem:$0x3F93];
	s0 =	simm.s32 @p1 $0x1  }
0x15: {  	[smem:$0x3FB0] =	sst s0;
	s0 =	simm.s32 @!p2 $0x0  }
0x16: {  	s3 =	sld [smem:$0x3FDB];
	s0 =	simm.s32 @p2 $0x1  }
0x17: {  	s4 =	simm.s32 $0x1BF5;
	[smem:$0x3FB2] =	sst s0  }
0x18: {  	s0 =	sld [smem:$0x3F95];
	_ =	swait.ge [sflag:s4], $0x0  }
0x19: {  	s7 =	sld [smem:$0x3F96]  }
0x1a: {  	s8 =	sadd.s32 $0xFFFFE003, lr  }
0x1b: {  	s9 =	sadd.s32 $0xFFFFFEF7, lr;
	s5 =	simm.s32 $0xFFFFFFFF;
	p2 =	slt.u32 s8, $0xFFFFF086  }
0x1c: {  	p1 =	slt.u32 s9, $0xF7A;
	s5 =	simm.s32 @!p2 $0x0  }
0x1d: {  	s5 =	simm.s32 @p1 $0x1;
	p0 =	seq.s32 s7, s2  }
0x1e: {  	s7 =	smul.u32 @!p0 $0xF7A, s2;
	p2 =	seq.s32 @!p0 s5, $0x0  }
0x1f: {  	s9 =	smul.u32 $0xF7A, s1;
	s8 =	simm.s32 @!p0 $0x1BF5;
	p2 =	por !p2, p0  }
0x20: {  	[sflag:s8] =	ssyncset.s32 @!p0 $0xFFFFF086;
	s6 =	sadd.s32 @!p0 s3, s7;
	s7 =	simm.s32 @!p0 $0x108  }
0x21: {  	s3 =	sadd.s32 s3, s9;
	s6 =	sadd.s32 @!p0 $0x88, s6;
	s7 =	simm.s32 @p2 $0x1082  }
0x22: {  	[simem:s7], [sflag:s8] =	dma.local @!p0 [hbm:s6], $0xF7A  }
0x23: {  	s9 =	sor.u32 $0xD0000000, s2;
	s6 =	simm.s32 $0x108;
	_ =	swait.ge @!p0 [sflag:s8], $0x0  }
0x24: {  	s3 =	sadd.s32 $0x88, s3;
	s6 =	simm.s32 @!p1 $0x1082;
	[sflag:s4] =	ssyncset.s32 $0xFFFFF086  }
0x25: {  	[simem:s6], [sflag:s4] =	dma.local [hbm:s3], $0xF7A  }
0x26: {  	[smem:$0x3F96] =	sst s1;
	(tag) =	ssettag s2;
	_ =	strace s9  }
0x27: {  	s1 =	sld [smem:$0x3FA6]  }
0x28: {  	s2 =	sld [smem:$0x3FA7]  }
0x29: {  	s4 =	sld [smem:$0x3FA9]  }
0x2a: {  	p0 =	seq.s32 s5, $0x0;
	s5 =	sld [smem:$0x3FAA]  }
0x2b: {  	s6 =	sld [smem:$0x3FAB]  }
0x2c: {  	s7 =	sld [smem:$0x3FAC]  }
0x2d: {  	s3 =	simm.s32 $0x108;
	s8 =	sld [smem:$0x3FAD]  }
0x2e: {  	s3 =	simm.s32 @!p0 $0x1082;
	s9 =	sld [smem:$0x3FAE]  }
0x2f: {  	lr =	sadd.s32 s0, s3;
	s0 =	sld [smem:$0x3FA5]  }
0x30: {  	s3 =	sld [smem:$0x3FA8]  }
0x31: {  	[smem:$0x3FB1] =	sst s10  }
0x32: {  	s10 =	sld [smem:$0x3FAF];
	_ =	sdelay $0x3  }
0x33: {  	p0 =	seq.s32 s10, $0x1;
	s10 =	sld [smem:$0x3FB1];
	_ =	sdelay $0x3  }
0x34: {  	[smem:$0x3FB1] =	sst s10  }
0x35: {  	s10 =	sld [smem:$0x3FB0];
	_ =	sdelay $0x3  }
0x36: {  	p1 =	seq.s32 s10, $0x1;
	s10 =	sld [smem:$0x3FB1];
	_ =	sdelay $0x3  }
0x37: {  	[smem:$0x3FB1] =	sst s10  }
0x38: {  	s10 =	sld [smem:$0x3FB2]  }
0x39: {  	_ = 	snop;
	(pc) =	sbr.ind lr, $3  }
0x3a: {  	_ = 	snop  }
0x3b: {  	_ = 	snop  }
0x3c: {  	p2 =	seq.s32 s10, $0x1;
	s10 =	sld [smem:$0x3FB1]  }
0x3d: {  	_ =	shalt  }
0x3e: {  	_ =	shalt  }
0x3f: {  	_ =	shalt  }
0x40: {  	_ =	shalt  }
0x41: {  	_ =	shalt  }
0x42: {  	_ =	shalt  }
0x43: {  	_ =	shalt  }
0x44: {  	_ =	shalt  }
0x45: {  	_ =	shalt  }
0x46: {  	_ =	shalt  }
0x47: {  	_ =	shalt  }
0x48: {  	_ =	shalt  }
0x49: {  	_ =	shalt  }
0x4a: {  	_ =	shalt  }
0x4b: {  	_ =	shalt  }
0x4c: {  	_ =	shalt  }
0x4d: {  	_ =	shalt  }
0x4e: {  	_ =	shalt  }
0x4f: {  	_ =	shalt  }
0x50: {  	_ =	shalt  }
0x51: {  	_ =	shalt  }
0x52: {  	_ =	shalt  }
0x53: {  	_ =	shalt  }
0x54: {  	_ =	shalt  }
0x55: {  	_ =	shalt  }
0x56: {  	_ =	shalt  }
0x57: {  	_ =	shalt  }
0x58: {  	_ =	shalt  }
0x59: {  	_ =	shalt  }
0x5a: {  	_ =	shalt  }
0x5b: {  	_ =	shalt  }
0x5c: {  	_ =	shalt  }
0x5d: {  	_ =	shalt  }
0x5e: {  	_ =	shalt  }
0x5f: {  	_ =	shalt  }
0x60: {  	_ =	shalt  }
0x61: {  	_ =	shalt  }
0x62: {  	_ =	shalt  }
0x63: {  	_ =	shalt  }
0x64: {  	_ =	shalt  }
0x65: {  	_ =	shalt  }
0x66: {  	_ =	shalt  }
0x67: {  	_ =	shalt  }
0x68: {  	_ =	shalt  }
0x69: {  	_ =	shalt  }
0x6a: {  	_ =	shalt  }
0x6b: {  	_ =	shalt  }
0x6c: {  	_ =	shalt  }
0x6d: {  	_ =	shalt  }
0x6e: {  	_ =	shalt  }
0x6f: {  	_ =	shalt  }
0x70: {  	_ =	shalt  }
0x71: {  	_ =	shalt  }
0x72: {  	_ =	shalt  }
0x73: {  	_ =	shalt  }
0x74: {  	_ =	shalt  }
0x75: {  	_ =	shalt  }
0x76: {  	_ =	shalt  }
0x77: {  	_ =	shalt  }
0x78: {  	_ =	shalt  }
0x79: {  	_ =	shalt  }
0x7a: {  	_ =	shalt  }
0x7b: {  	_ =	shalt  }
0x7c: {  	_ =	shalt  }
0x7d: {  	_ =	shalt  }
0x7e: {  	_ =	shalt  }
0x7f: {  	_ =	shalt  }
0x80: {  	_ =	shalt  }
0x81: {  	_ =	shalt  }
0x82: {  	_ =	shalt  }
0x83: {  	_ =	shalt  }
0x84: {  	_ =	shalt  }
0x85: {  	_ =	shalt  }
0x86: {  	_ =	shalt  }
0x87: {  	_ =	shalt  }
.Lfunc_end0:
.L_simem_size_0:
called_computation_lowered:
.L_overlay_start_0:
0x88: {  	s2 =	sld [smem:$0x3FD9]  }
0x89: {  	s3 =	sld [smem:$0x3FFE];
	_ =	sdelay $0x1  }
0x8a: {  	s1 =	srdreg.scid  }
0x8b: {  	s0 =	sand.u32 $0x1, s1  }
0x8c: {  	s16 =	sshll.u32 s0, $0xA;
	s2 =	sadd.s32 s3, s2  }
0x8d: {  	s2 =	sadd.s32 s2, s16  }
0x8e: {  	[smem:$0x3FBD] =	sst s2  }
0x8f: {  	_ = 	snop  }
0x90: {  	(tm) =	ssettm $0x1  }
0x91: {  	s17 =	sld [smem:$0x3FFB];
	_ =	sdelay $0x3  }
0x92: {  	_ =	strace s17  }
0x93: {  	s2 =	sld [smem:$0x3FFC];
	_ =	sdelay $0x3  }
0x94: {  	_ =	strace s2  }
0x95: {  	s2 =	sld [smem:$0x3FFD];
	_ =	sdelay $0x3  }
0x96: {  	_ =	strace s2  }
0x97: {  	_ =	strace $0x8FFFFFFF  }
0x98: {  	s18 =	sld [smem:$0x3FDB];
	_ =	sdelay $0x1  }
0x99: {  	s19 =	simm.s32 $_scs_section_size  }
0x9a: {  	s4 =	simm.s32 $_size__tile_overlayer_lowered;
	s5 =	simm.s32 $_tile_overlayer_lowered  }
0x9b: {  	s22 =	simm.s32 $0x1BFF;
	s21 =	sshll.u32 s5, $0x1;
	s2 =	sadd.s32 s19, s18  }
0x9c: {  	s6 =	simm.s32 $0x0;
	s20 =	sshll.u32 s4, $0x1;
	s4 =	sadd.s32 s21, s2  }
0x9d: {  	[timem:s6], [sflag:s22] =	dma.local [hbm:s4], s20  }
0x9e: {  	_ =	swait.ge [sflag:s22], s20  }
0x9f: {  	s3 =	ssub.s32 $0x0, s20;
	[sflag:s22] =	ssyncset.done $0x0  }
0xa0: {  	[sflag:s22] =	ssyncadd.s32 s3;
	_ =	sdelay $0x1  }
0xa1: {  	s23 =	simm.s32 $0x1B8B  }
0xa2: {  	_ =	swait.ge [sflag:s23], $0x1  }
0xa3: {  	[sflag:s23] =	ssyncset.done $0x0  }
0xa4: {  	s25 =	simm.s32 $0x1B8E;
	s24 =	sld [smem:$0x3FFE];
	[sflag:s23] =	ssyncadd.s32 $0xFFFFFFFF  }
0xa5: {  	s26 =	simm.s32 $execute0_lowered;
	[smem:$0x3FD2] =	sst s25  }
0xa6: {  	s4 =	sshll.u32 s26, $0x1;
	_ =	strace $0x80000046;
	[dreg:$0x1] =	wrdreg $0xFFFFFFFF  }
0xa7: {  	s28 =	simm.s32 $_size_execute0_lowered;
	s2 =	sadd.s32 s2, s4;
	[dreg:$0x0] =	wrdreg $0x0  }
0xa8: {  	s4 =	sshll.u32 s28, $0x1;
	[dreg:$0x2] =	wrdreg s2  }
0xa9: {  	[dreg:$0x3] =	wrdreg s4  }
0xaa: {  	[dreg:$0x4] =	wrdreg $0xC0  }
0xab: {  	_ =	task [dreg:s6], $0x5FFFF  }
0xac: {  	[dreg:$0x1] =	wrdreg $0xFFFFFFFF  }
0xad: {  	[dreg:$0x0] =	wrdreg $0x60  }
0xae: {  	[dreg:$0x2] =	wrdreg s24  }
0xaf: {  	[dreg:$0x3] =	wrdreg $0x0  }
0xb0: {  	[dreg:$0x4] =	wrdreg $0x9  }
0xb1: {  	_ =	task.clear_ibuf [dreg:s6], $0x5FFFF;
	_ =	strace $0x90000046  }
0xb2: {  	s29 =	simm.s32 $0x9;
	_ =	strace $0x80000048  }
0xb3: {  	_ =	swait.ge [sflag:s29], $0x1  }
0xb4: {  	[sflag:s29] =	ssyncadd.s32 $0xFFFFFFFF  }
0xb5: {  	_ =	strace $0x90000048  }
0xb6: {  	_ =	sfence  }
0xb7: {  	s30 =	sld [smem:$0x0];
	_ =	sdelay $0x2  }
0xb8: {  	s31 =	sshll.u32 s1, $0xD;
	s1 =	sshrl.u32 s1, $0x2  }
0xb9: {  	s3 =	sand.u32 $0x4000, s31;
	s1 =	sadd.s32 s1, s30  }
0xba: {  	s0 =	sor.u32 s3, s0;
	s1 =	sshll.u32 s1, $0x11  }
0xbb: {  	s0 =	sor.u32 s1, s0  }
0xbc: {  	s0 =	sadd.s32 $0x8F2B, s0  }
0xbd: {  	[sflag:s0] =	ssyncadd.remote.s32 $0x1  }
0xbe: {  	_ =	sfence.sel $0xFFFF  }
0xbf: {  	[dreg:$0x0] =	wrdreg $0xFFFFFFFF;
	(pc) =	sbr.abs _section_cstart, $3  }
0xc0: {  	[dreg:$0x1] =	wrdreg $0xFFFFFFFF  }
0xc1: {  	_ =	task.clear_ibuf [dreg:s6], $0x2FFFF;
	_ =	strace $0x9FFFFFFF  }
0xc2: {  	(tm) =	ssettm $0x7FFFFFFF  }
0xc3: {  	_ =	shalt  }
tec
execute0_lowered:
.L_overlay_start_1:
0x0: {  	(tag) =	ssettag $0x1  }
0x1: {  	s0 =	rddreg [dreg:$0x0]  }
0x2: {  	s1 =	rddreg [dreg:$0x1]  }
0x3: {  	s2 =	srdreg.scid;
	s7 =	stileid.u32;
	s21 =	simm.s32 $0x0  }
0x4: {  	s28 =	simm.s32 $0x2780;
	s29 =	simm.s32 $0x4F00;
	s23 =	smul.u32 $0x13C00, s7  }
0x5: {  	s30 =	simm.s32 $0x5180;
	s31 =	simm.s32 $0x7B80;
	s24 =	smul.u32 $0x9E0, s7  }
0x6: {  	s3 =	sshrl.u32 s7, $0x2;
	s4 =	sshll.u32 s7, $0x8;
	s7 =	smul.u32 $0x9E00, s7  }
0x7: {  	s2 =	sand.u32 $0x1, s2;
	[smem:$0x7FF] =	sst s21;
	s3 =	smul.u32 $0x13C00, s3  }
0x8: {  	s5 =	sshll.u32 s2, $0x7;
	s4 =	sand.u32 $0x300, s4;
	s22 =	smul.u32 $0x13C000, s2  }
0x9: {  	_ =	strace $0x80000047;
	s2 =	ssub.s32 $0x2, s2;
	s4 =	sor.u32 s5, s4  }
0xa: {  	s6 =	sshrl.u32 s2, $0x1;
	s25 =	sshrl.u32 s24, $0x2;
	s26 =	sshrl.u32 s7, $0x2  }
0xb: {  	s3 =	sor.u32 s3, s4;
	s4 =	sadd.s32 s23, s22;
	s2 =	ssub.s32 s2, s6  }
0xc: {  	s5 =	sadd.s32 s26, s1;
	s26 =	simm.s32 $0x1;
	s3 =	sshrl.u32 s3, $0x3  }
0xd: {  	s4 =	sshrl.u32 s4, $0x3;
	s22 =	smax.u32 s2, $0x1;
	s3 =	sadd.s32 s3, s0  }
0xe: {  	s0 =	sadd.s32 s4, s0;
	s4 =	sadd.s32 s25, s1;
	s25 =	simm.s32 $0x5400  }
0xf: {  	s1 =	simm.s32 $0x0;
	s3 =	sadd.s32 $0x2C00, s3;
	s6 =	sadd.s32 $0x2780, s4  }
0x10: {  	s7 =	sadd.s32 $0x4F00, s4;
	s8 =	sadd.s32 $0x7680, s4;
	s9 =	sadd.s32 $0x9E00, s4  }
0x11: {  	s10 =	sadd.s32 $0xC580, s4;
	s11 =	sadd.s32 $0xED00, s4;
	s12 =	sadd.s32 $0x11480, s4  }
0x12: {  	s13 =	sadd.s32 $0x13C00, s4;
	s14 =	sadd.s32 $0x16380, s4;
	s15 =	sadd.s32 $0x18B00, s4  }
0x13: {  	s16 =	sadd.s32 $0x1B280, s4;
	s17 =	sadd.s32 $0x1DA00, s4;
	s18 =	sadd.s32 $0x20180, s4  }
0x14: {  	v0 =	vimm.f32 $0.0e+00;
	v1 =	vimm.f32 $1.000000000e+00;
	v2 =	vlaneseq.u32;
	s19 =	sadd.s32 $0x22900, s4;
	s20 =	sadd.s32 $0x25080, s4;
	s21 =	sadd.s32 $0xCA00, s0  }
.LBB2_1:
0x15: {  	s0 =	simm.s32 $0x80;
	s2 =	simm.s32 $0x400  }
0x16: {  	[tilespmem:s25], [sflag:$0x1] =	stream.strided.gather [hbm4b:s3+s0], $0x2780, s2, s0, $0x38;
	[tilespmem:$0x1B780] =	vst v63  }
0x17: {  	_ =	swait.ge [sflag:s26], $0x2780  }
0x18: {  	[sflag:s26] =	ssyncset.done $0x0  }
0x19: {  	s0 =	simm.s32 $0x0;
	[sflag:s26] =	ssyncadd.s32 $0xFFFFD880  }
.LBB2_2:
0x1a: {  	p0 =	sne.s32 s0, $0x9DC0  }
.Ltmp0:
0x1b: {  	_ = 	snop;
	(pc) =	sbr.rel @p0 .LBB2_2-.Ltmp0, $3  }
0x1c: {  	_ =	sdelay $0x1  }
0x1d: {  	s2 =	sshra.s32 s0, $0x2  }
0x1e: {  	s0 =	sadd.s32 $0x40, s0;
	[tilespmem:s2+$0x2780] =	vst v0  }
0x1f: {  	s2 =	simm.s32 $0x0;
	s0 =	simm.s32 $0x40  }
.LBB2_4:
0x20: {  	p0 =	sne.s32 s0, $0x9DC0;
	v3 =	vld [tilespmem:s2+$0x5400];
	_ =	sdelay $0x3  }
.Ltmp1:
0x21: {  	(pc) =	sbr.rel @p0 .LBB2_4-.Ltmp1, $2  }
0x22: {  	_ =	sdelay $0x2  }
0x23: {  	s2 =	sshra.s32 s0, $0x2;
	s0 =	sadd.s32 $0x40, s0;
	[tilespmem:v3+s28+$0x0] =	vst.idx.add.f32.msk $0xffff, v1  }
0x24: {  	v3 =	vld [tilespmem:s2+$0x5400];
	_ =	sdelay $0x7  }
0x25: {  	[tilespmem:v3+s28+$0x0] =	vst.idx.add.f32.msk $0xffff, v1  }
0x26: {  	[spmem:s5] =	stream.linear.scatter [tilespmem:s28], [sflag:$0x1], $0x2780, $0x38;
	[tilespmem:$0x1B780] =	vst v63  }
0x27: {  	_ =	swait.ge [sflag:s26], $0x2780  }
0x28: {  	[sflag:s26] =	ssyncset.done $0x0  }
0x29: {  	[sflag:s26] =	ssyncadd.s32 $0xFFFFD880  }
0x2a: {  	[bflag:$0x0] =	sbarrier.arrive $0xFFFF  }
0x2b: {  	[tilespmem:s29], [sflag:$0x1] =	stream.linear.gather [spmem:s4], $0x278, $0x38;
	[tilespmem:$0x1B780] =	vst v63  }
0x2c: {  	_ =	swait.ge [sflag:s26], $0x278  }
0x2d: {  	[sflag:s26] =	ssyncset.done $0x0  }
0x2e: {  	[sflag:s26] =	ssyncadd.s32 $0xFFFFFD88  }
0x2f: {  	[tilespmem:s30], [sflag:$0x1] =	stream.linear.gather [spmem:s6], $0x278, $0x38;
	[tilespmem:$0x1B780] =	vst v63  }
0x30: {  	_ =	swait.ge [sflag:s26], $0x278  }
0x31: {  	[sflag:s26] =	ssyncset.done $0x0  }
0x32: {  	s0 =	simm.s32 $0x0;
	[sflag:s26] =	ssyncadd.s32 $0xFFFFFD88  }
0x33: {  	s2 =	simm.s32 $0x40;
	v3 =	vld [tilespmem:s0+$0x5180]  }
.LBB2_6:
0x34: {  	p0 =	sne.s32 s2, $0x9C0;
	v4 =	vld [tilespmem:s0+$0x4F00];
	_ =	sdelay $0x2  }
.Ltmp2:
0x35: {  	(pc) =	sbr.rel @p0 .LBB2_6-.Ltmp2, $4  }
0x36: {  	_ = 	snop  }
0x37: {  	v4 =	vadd.f32 v3, v4  }
0x38: {  	s23 =	sshra.s32 s2, $0x2  }
0x39: {  	s2 =	sadd.s32 $0x40, s2;
	v3 =	vld [tilespmem:s23+$0x5180];
	[tilespmem:s0+$0x4F00] =	vst v4;
	s0 =	smov.u32 s23  }
0x3a: {  	v4 =	vld [tilespmem:s0+$0x4F00];
	_ =	sdelay $0x4  }
0x3b: {  	v3 =	vadd.f32 v3, v4;
	_ =	sdelay $0x1  }
0x3c: {  	[tilespmem:s0+$0x4F00] =	vst v3  }
0x3d: {  	[tilespmem:s30], [sflag:$0x1] =	stream.linear.gather [spmem:s7], $0x278, $0x38;
	[tilespmem:$0x1B780] =	vst v63  }
0x3e: {  	_ =	swait.ge [sflag:s26], $0x278  }
0x3f: {  	[sflag:s26] =	ssyncset.done $0x0  }
0x40: {  	s0 =	simm.s32 $0x0;
	[sflag:s26] =	ssyncadd.s32 $0xFFFFFD88  }
0x41: {  	s2 =	simm.s32 $0x40;
	v3 =	vld [tilespmem:s0+$0x5180]  }
.LBB2_8:
0x42: {  	p0 =	sne.s32 s2, $0x9C0;
	v4 =	vld [tilespmem:s0+$0x4F00];
	_ =	sdelay $0x2  }
.Ltmp3:
0x43: {  	(pc) =	sbr.rel @p0 .LBB2_8-.Ltmp3, $4  }
0x44: {  	_ = 	snop  }
0x45: {  	v4 =	vadd.f32 v3, v4  }
0x46: {  	s23 =	sshra.s32 s2, $0x2  }
0x47: {  	s2 =	sadd.s32 $0x40, s2;
	v3 =	vld [tilespmem:s23+$0x5180];
	[tilespmem:s0+$0x4F00] =	vst v4;
	s0 =	smov.u32 s23  }
0x48: {  	v4 =	vld [tilespmem:s0+$0x4F00];
	_ =	sdelay $0x4  }
0x49: {  	v3 =	vadd.f32 v3, v4;
	_ =	sdelay $0x1  }
0x4a: {  	[tilespmem:s0+$0x4F00] =	vst v3  }
0x4b: {  	[tilespmem:s30], [sflag:$0x1] =	stream.linear.gather [spmem:s8], $0x278, $0x38;
	[tilespmem:$0x1B780] =	vst v63  }
0x4c: {  	_ =	swait.ge [sflag:s26], $0x278  }
0x4d: {  	[sflag:s26] =	ssyncset.done $0x0  }
0x4e: {  	s0 =	simm.s32 $0x0;
	[sflag:s26] =	ssyncadd.s32 $0xFFFFFD88  }
0x4f: {  	s2 =	simm.s32 $0x40;
	v3 =	vld [tilespmem:s0+$0x5180]  }
.LBB2_10:
0x50: {  	p0 =	sne.s32 s2, $0x9C0;
	v4 =	vld [tilespmem:s0+$0x4F00];
	_ =	sdelay $0x2  }
.Ltmp4:
0x51: {  	(pc) =	sbr.rel @p0 .LBB2_10-.Ltmp4, $4  }
0x52: {  	_ = 	snop  }
0x53: {  	v4 =	vadd.f32 v3, v4  }
0x54: {  	s23 =	sshra.s32 s2, $0x2  }
0x55: {  	s2 =	sadd.s32 $0x40, s2;
	v3 =	vld [tilespmem:s23+$0x5180];
	[tilespmem:s0+$0x4F00] =	vst v4;
	s0 =	smov.u32 s23  }
0x56: {  	v4 =	vld [tilespmem:s0+$0x4F00];
	_ =	sdelay $0x4  }
0x57: {  	v3 =	vadd.f32 v3, v4;
	_ =	sdelay $0x1  }
0x58: {  	[tilespmem:s0+$0x4F00] =	vst v3  }
0x59: {  	[tilespmem:s30], [sflag:$0x1] =	stream.linear.gather [spmem:s9], $0x278, $0x38;
	[tilespmem:$0x1B780] =	vst v63  }
0x5a: {  	_ =	swait.ge [sflag:s26], $0x278  }
0x5b: {  	[sflag:s26] =	ssyncset.done $0x0  }
0x5c: {  	s0 =	simm.s32 $0x0;
	[sflag:s26] =	ssyncadd.s32 $0xFFFFFD88  }
0x5d: {  	s2 =	simm.s32 $0x40;
	v3 =	vld [tilespmem:s0+$0x5180]  }
.LBB2_12:
0x5e: {  	p0 =	sne.s32 s2, $0x9C0;
	v4 =	vld [tilespmem:s0+$0x4F00];
	_ =	sdelay $0x2  }
.Ltmp5:
0x5f: {  	(pc) =	sbr.rel @p0 .LBB2_12-.Ltmp5, $4  }
0x60: {  	_ = 	snop  }
0x61: {  	v4 =	vadd.f32 v3, v4  }
0x62: {  	s23 =	sshra.s32 s2, $0x2  }
0x63: {  	s2 =	sadd.s32 $0x40, s2;
	v3 =	vld [tilespmem:s23+$0x5180];
	[tilespmem:s0+$0x4F00] =	vst v4;
	s0 =	smov.u32 s23  }
0x64: {  	v4 =	vld [tilespmem:s0+$0x4F00];
	_ =	sdelay $0x4  }
0x65: {  	v3 =	vadd.f32 v3, v4;
	_ =	sdelay $0x1  }
0x66: {  	[tilespmem:s0+$0x4F00] =	vst v3  }
0x67: {  	[tilespmem:s30], [sflag:$0x1] =	stream.linear.gather [spmem:s10], $0x278, $0x38;
	[tilespmem:$0x1B780] =	vst v63  }
0x68: {  	_ =	swait.ge [sflag:s26], $0x278  }
0x69: {  	[sflag:s26] =	ssyncset.done $0x0  }
0x6a: {  	s0 =	simm.s32 $0x0;
	[sflag:s26] =	ssyncadd.s32 $0xFFFFFD88  }
0x6b: {  	s2 =	simm.s32 $0x40;
	v3 =	vld [tilespmem:s0+$0x5180]  }
.LBB2_14:
0x6c: {  	p0 =	sne.s32 s2, $0x9C0;
	v4 =	vld [tilespmem:s0+$0x4F00];
	_ =	sdelay $0x2  }
.Ltmp6:
0x6d: {  	(pc) =	sbr.rel @p0 .LBB2_14-.Ltmp6, $4  }
0x6e: {  	_ = 	snop  }
0x6f: {  	v4 =	vadd.f32 v3, v4  }
0x70: {  	s23 =	sshra.s32 s2, $0x2  }
0x71: {  	s2 =	sadd.s32 $0x40, s2;
	v3 =	vld [tilespmem:s23+$0x5180];
	[tilespmem:s0+$0x4F00] =	vst v4;
	s0 =	smov.u32 s23  }
0x72: {  	v4 =	vld [tilespmem:s0+$0x4F00];
	_ =	sdelay $0x4  }
0x73: {  	v3 =	vadd.f32 v3, v4;
	_ =	sdelay $0x1  }
0x74: {  	[tilespmem:s0+$0x4F00] =	vst v3  }
0x75: {  	[tilespmem:s30], [sflag:$0x1] =	stream.linear.gather [spmem:s11], $0x278, $0x38;
	[tilespmem:$0x1B780] =	vst v63  }
0x76: {  	_ =	swait.ge [sflag:s26], $0x278  }
0x77: {  	[sflag:s26] =	ssyncset.done $0x0  }
0x78: {  	s0 =	simm.s32 $0x0;
	[sflag:s26] =	ssyncadd.s32 $0xFFFFFD88  }
0x79: {  	s2 =	simm.s32 $0x40;
	v3 =	vld [tilespmem:s0+$0x5180]  }
.LBB2_16:
0x7a: {  	p0 =	sne.s32 s2, $0x9C0;
	v4 =	vld [tilespmem:s0+$0x4F00];
	_ =	sdelay $0x2  }
.Ltmp7:
0x7b: {  	(pc) =	sbr.rel @p0 .LBB2_16-.Ltmp7, $4  }
0x7c: {  	_ = 	snop  }
0x7d: {  	v4 =	vadd.f32 v3, v4  }
0x7e: {  	s23 =	sshra.s32 s2, $0x2  }
0x7f: {  	s2 =	sadd.s32 $0x40, s2;
	v3 =	vld [tilespmem:s23+$0x5180];
	[tilespmem:s0+$0x4F00] =	vst v4;
	s0 =	smov.u32 s23  }
0x80: {  	v4 =	vld [tilespmem:s0+$0x4F00];
	_ =	sdelay $0x4  }
0x81: {  	v3 =	vadd.f32 v3, v4;
	_ =	sdelay $0x1  }
0x82: {  	[tilespmem:s0+$0x4F00] =	vst v3  }
0x83: {  	[tilespmem:s30], [sflag:$0x1] =	stream.linear.gather [spmem:s12], $0x278, $0x38;
	[tilespmem:$0x1B780] =	vst v63  }
0x84: {  	_ =	swait.ge [sflag:s26], $0x278  }
0x85: {  	[sflag:s26] =	ssyncset.done $0x0  }
0x86: {  	s0 =	simm.s32 $0x0;
	[sflag:s26] =	ssyncadd.s32 $0xFFFFFD88  }
0x87: {  	s2 =	simm.s32 $0x40;
	v3 =	vld [tilespmem:s0+$0x5180]  }
.LBB2_18:
0x88: {  	p0 =	sne.s32 s2, $0x9C0;
	v4 =	vld [tilespmem:s0+$0x4F00];
	_ =	sdelay $0x2  }
.Ltmp8:
0x89: {  	(pc) =	sbr.rel @p0 .LBB2_18-.Ltmp8, $4  }
0x8a: {  	_ = 	snop  }
0x8b: {  	v4 =	vadd.f32 v3, v4  }
0x8c: {  	s23 =	sshra.s32 s2, $0x2  }
0x8d: {  	s2 =	sadd.s32 $0x40, s2;
	v3 =	vld [tilespmem:s23+$0x5180];
	[tilespmem:s0+$0x4F00] =	vst v4;
	s0 =	smov.u32 s23  }
0x8e: {  	v4 =	vld [tilespmem:s0+$0x4F00];
	_ =	sdelay $0x4  }
0x8f: {  	v3 =	vadd.f32 v3, v4;
	_ =	sdelay $0x1  }
0x90: {  	[tilespmem:s0+$0x4F00] =	vst v3  }
0x91: {  	[tilespmem:s30], [sflag:$0x1] =	stream.linear.gather [spmem:s13], $0x278, $0x38;
	[tilespmem:$0x1B780] =	vst v63  }
0x92: {  	_ =	swait.ge [sflag:s26], $0x278  }
0x93: {  	[sflag:s26] =	ssyncset.done $0x0  }
0x94: {  	s0 =	simm.s32 $0x0;
	[sflag:s26] =	ssyncadd.s32 $0xFFFFFD88  }
0x95: {  	s2 =	simm.s32 $0x40;
	v3 =	vld [tilespmem:s0+$0x5180]  }
.LBB2_20:
0x96: {  	p0 =	sne.s32 s2, $0x9C0;
	v4 =	vld [tilespmem:s0+$0x4F00];
	_ =	sdelay $0x2  }
.Ltmp9:
0x97: {  	(pc) =	sbr.rel @p0 .LBB2_20-.Ltmp9, $4  }
0x98: {  	_ = 	snop  }
0x99: {  	v4 =	vadd.f32 v3, v4  }
0x9a: {  	s23 =	sshra.s32 s2, $0x2  }
0x9b: {  	s2 =	sadd.s32 $0x40, s2;
	v3 =	vld [tilespmem:s23+$0x5180];
	[tilespmem:s0+$0x4F00] =	vst v4;
	s0 =	smov.u32 s23  }
0x9c: {  	v4 =	vld [tilespmem:s0+$0x4F00];
	_ =	sdelay $0x4  }
0x9d: {  	v3 =	vadd.f32 v3, v4;
	_ =	sdelay $0x1  }
0x9e: {  	[tilespmem:s0+$0x4F00] =	vst v3  }
0x9f: {  	[tilespmem:s30], [sflag:$0x1] =	stream.linear.gather [spmem:s14], $0x278, $0x38;
	[tilespmem:$0x1B780] =	vst v63  }
0xa0: {  	_ =	swait.ge [sflag:s26], $0x278  }
0xa1: {  	[sflag:s26] =	ssyncset.done $0x0  }
0xa2: {  	s0 =	simm.s32 $0x0;
	[sflag:s26] =	ssyncadd.s32 $0xFFFFFD88  }
0xa3: {  	s2 =	simm.s32 $0x40;
	v3 =	vld [tilespmem:s0+$0x5180]  }
.LBB2_22:
0xa4: {  	p0 =	sne.s32 s2, $0x9C0;
	v4 =	vld [tilespmem:s0+$0x4F00];
	_ =	sdelay $0x2  }
.Ltmp10:
0xa5: {  	(pc) =	sbr.rel @p0 .LBB2_22-.Ltmp10, $4  }
0xa6: {  	_ = 	snop  }
0xa7: {  	v4 =	vadd.f32 v3, v4  }
0xa8: {  	s23 =	sshra.s32 s2, $0x2  }
0xa9: {  	s2 =	sadd.s32 $0x40, s2;
	v3 =	vld [tilespmem:s23+$0x5180];
	[tilespmem:s0+$0x4F00] =	vst v4;
	s0 =	smov.u32 s23  }
0xaa: {  	v4 =	vld [tilespmem:s0+$0x4F00];
	_ =	sdelay $0x4  }
0xab: {  	v3 =	vadd.f32 v3, v4;
	_ =	sdelay $0x1  }
0xac: {  	[tilespmem:s0+$0x4F00] =	vst v3  }
0xad: {  	[tilespmem:s30], [sflag:$0x1] =	stream.linear.gather [spmem:s15], $0x278, $0x38;
	[tilespmem:$0x1B780] =	vst v63  }
0xae: {  	_ =	swait.ge [sflag:s26], $0x278  }
0xaf: {  	[sflag:s26] =	ssyncset.done $0x0  }
0xb0: {  	s0 =	simm.s32 $0x0;
	[sflag:s26] =	ssyncadd.s32 $0xFFFFFD88  }
0xb1: {  	s2 =	simm.s32 $0x40;
	v3 =	vld [tilespmem:s0+$0x5180]  }
.LBB2_24:
0xb2: {  	p0 =	sne.s32 s2, $0x9C0;
	v4 =	vld [tilespmem:s0+$0x4F00];
	_ =	sdelay $0x2  }
.Ltmp11:
0xb3: {  	(pc) =	sbr.rel @p0 .LBB2_24-.Ltmp11, $4  }
0xb4: {  	_ = 	snop  }
0xb5: {  	v4 =	vadd.f32 v3, v4  }
0xb6: {  	s23 =	sshra.s32 s2, $0x2  }
0xb7: {  	s2 =	sadd.s32 $0x40, s2;
	v3 =	vld [tilespmem:s23+$0x5180];
	[tilespmem:s0+$0x4F00] =	vst v4;
	s0 =	smov.u32 s23  }
0xb8: {  	v4 =	vld [tilespmem:s0+$0x4F00];
	_ =	sdelay $0x4  }
0xb9: {  	v3 =	vadd.f32 v3, v4;
	_ =	sdelay $0x1  }
0xba: {  	[tilespmem:s0+$0x4F00] =	vst v3  }
0xbb: {  	[tilespmem:s30], [sflag:$0x1] =	stream.linear.gather [spmem:s16], $0x278, $0x38;
	[tilespmem:$0x1B780] =	vst v63  }
0xbc: {  	_ =	swait.ge [sflag:s26], $0x278  }
0xbd: {  	[sflag:s26] =	ssyncset.done $0x0  }
0xbe: {  	s0 =	simm.s32 $0x0;
	[sflag:s26] =	ssyncadd.s32 $0xFFFFFD88  }
0xbf: {  	s2 =	simm.s32 $0x40;
	v3 =	vld [tilespmem:s0+$0x5180]  }
.LBB2_26:
0xc0: {  	p0 =	sne.s32 s2, $0x9C0;
	v4 =	vld [tilespmem:s0+$0x4F00];
	_ =	sdelay $0x2  }
.Ltmp12:
0xc1: {  	(pc) =	sbr.rel @p0 .LBB2_26-.Ltmp12, $4  }
0xc2: {  	_ = 	snop  }
0xc3: {  	v4 =	vadd.f32 v3, v4  }
0xc4: {  	s23 =	sshra.s32 s2, $0x2  }
0xc5: {  	s2 =	sadd.s32 $0x40, s2;
	v3 =	vld [tilespmem:s23+$0x5180];
	[tilespmem:s0+$0x4F00] =	vst v4;
	s0 =	smov.u32 s23  }
0xc6: {  	v4 =	vld [tilespmem:s0+$0x4F00];
	_ =	sdelay $0x4  }
0xc7: {  	v3 =	vadd.f32 v3, v4;
	_ =	sdelay $0x1  }
0xc8: {  	[tilespmem:s0+$0x4F00] =	vst v3  }
0xc9: {  	[tilespmem:s30], [sflag:$0x1] =	stream.linear.gather [spmem:s17], $0x278, $0x38;
	[tilespmem:$0x1B780] =	vst v63  }
0xca: {  	_ =	swait.ge [sflag:s26], $0x278  }
0xcb: {  	[sflag:s26] =	ssyncset.done $0x0  }
0xcc: {  	s0 =	simm.s32 $0x0;
	[sflag:s26] =	ssyncadd.s32 $0xFFFFFD88  }
0xcd: {  	s2 =	simm.s32 $0x40;
	v3 =	vld [tilespmem:s0+$0x5180]  }
.LBB2_28:
0xce: {  	p0 =	sne.s32 s2, $0x9C0;
	v4 =	vld [tilespmem:s0+$0x4F00];
	_ =	sdelay $0x2  }
.Ltmp13:
0xcf: {  	(pc) =	sbr.rel @p0 .LBB2_28-.Ltmp13, $4  }
0xd0: {  	_ = 	snop  }
0xd1: {  	v4 =	vadd.f32 v3, v4  }
0xd2: {  	s23 =	sshra.s32 s2, $0x2  }
0xd3: {  	s2 =	sadd.s32 $0x40, s2;
	v3 =	vld [tilespmem:s23+$0x5180];
	[tilespmem:s0+$0x4F00] =	vst v4;
	s0 =	smov.u32 s23  }
0xd4: {  	v4 =	vld [tilespmem:s0+$0x4F00];
	_ =	sdelay $0x4  }
0xd5: {  	v3 =	vadd.f32 v3, v4;
	_ =	sdelay $0x1  }
0xd6: {  	[tilespmem:s0+$0x4F00] =	vst v3  }
0xd7: {  	[tilespmem:s30], [sflag:$0x1] =	stream.linear.gather [spmem:s18], $0x278, $0x38;
	[tilespmem:$0x1B780] =	vst v63  }
0xd8: {  	_ =	swait.ge [sflag:s26], $0x278  }
0xd9: {  	[sflag:s26] =	ssyncset.done $0x0  }
0xda: {  	s0 =	simm.s32 $0x0;
	[sflag:s26] =	ssyncadd.s32 $0xFFFFFD88  }
0xdb: {  	s2 =	simm.s32 $0x40;
	v3 =	vld [tilespmem:s0+$0x5180]  }
.LBB2_30:
0xdc: {  	p0 =	sne.s32 s2, $0x9C0;
	v4 =	vld [tilespmem:s0+$0x4F00];
	_ =	sdelay $0x2  }
.Ltmp14:
0xdd: {  	(pc) =	sbr.rel @p0 .LBB2_30-.Ltmp14, $4  }
0xde: {  	_ = 	snop  }
0xdf: {  	v4 =	vadd.f32 v3, v4  }
0xe0: {  	s23 =	sshra.s32 s2, $0x2  }
0xe1: {  	s2 =	sadd.s32 $0x40, s2;
	v3 =	vld [tilespmem:s23+$0x5180];
	[tilespmem:s0+$0x4F00] =	vst v4;
	s0 =	smov.u32 s23  }
0xe2: {  	v4 =	vld [tilespmem:s0+$0x4F00];
	_ =	sdelay $0x4  }
0xe3: {  	v3 =	vadd.f32 v3, v4;
	_ =	sdelay $0x1  }
0xe4: {  	[tilespmem:s0+$0x4F00] =	vst v3  }
0xe5: {  	[tilespmem:s30], [sflag:$0x1] =	stream.linear.gather [spmem:s19], $0x278, $0x38;
	[tilespmem:$0x1B780] =	vst v63  }
0xe6: {  	_ =	swait.ge [sflag:s26], $0x278  }
0xe7: {  	[sflag:s26] =	ssyncset.done $0x0  }
0xe8: {  	s0 =	simm.s32 $0x0;
	[sflag:s26] =	ssyncadd.s32 $0xFFFFFD88  }
0xe9: {  	s2 =	simm.s32 $0x40;
	v3 =	vld [tilespmem:s0+$0x5180]  }
.LBB2_32:
0xea: {  	p0 =	sne.s32 s2, $0x9C0;
	v4 =	vld [tilespmem:s0+$0x4F00];
	_ =	sdelay $0x2  }
.Ltmp15:
0xeb: {  	(pc) =	sbr.rel @p0 .LBB2_32-.Ltmp15, $4  }
0xec: {  	_ = 	snop  }
0xed: {  	v4 =	vadd.f32 v3, v4  }
0xee: {  	s23 =	sshra.s32 s2, $0x2  }
0xef: {  	s2 =	sadd.s32 $0x40, s2;
	v3 =	vld [tilespmem:s23+$0x5180];
	[tilespmem:s0+$0x4F00] =	vst v4;
	s0 =	smov.u32 s23  }
0xf0: {  	v4 =	vld [tilespmem:s0+$0x4F00];
	_ =	sdelay $0x4  }
0xf1: {  	v3 =	vadd.f32 v3, v4;
	_ =	sdelay $0x1  }
0xf2: {  	[tilespmem:s0+$0x4F00] =	vst v3  }
0xf3: {  	[tilespmem:s30], [sflag:$0x1] =	stream.linear.gather [spmem:s20], $0x278, $0x38;
	[tilespmem:$0x1B780] =	vst v63  }
0xf4: {  	_ =	swait.ge [sflag:s26], $0x278  }
0xf5: {  	[sflag:s26] =	ssyncset.done $0x0  }
0xf6: {  	s0 =	simm.s32 $0x0;
	[sflag:s26] =	ssyncadd.s32 $0xFFFFFD88  }
0xf7: {  	s2 =	simm.s32 $0x0;
	s23 =	simm.s32 $0x40;
	v3 =	vld [tilespmem:s0+$0x5180]  }
.LBB2_34:
0xf8: {  	p0 =	sne.s32 s23, $0x9C0;
	v4 =	vld [tilespmem:s0+$0x4F00];
	_ =	sdelay $0x2  }
.Ltmp16:
0xf9: {  	(pc) =	sbr.rel @p0 .LBB2_34-.Ltmp16, $4  }
0xfa: {  	_ = 	snop  }
0xfb: {  	v4 =	vadd.f32 v3, v4  }
0xfc: {  	s24 =	sshra.s32 s23, $0x2  }
0xfd: {  	s23 =	sadd.s32 $0x40, s23;
	v3 =	vld [tilespmem:s24+$0x5180];
	[tilespmem:s0+$0x4F00] =	vst v4;
	s0 =	smov.u32 s24  }
0xfe: {  	v4 =	vld [tilespmem:s0+$0x4F00];
	_ =	sdelay $0x2  }
0xff: {  	v5 =	vmov s2;
	_ =	sdelay $0x1  }
0x100: {  	v3 =	vadd.f32 v3, v4;
	_ =	sdelay $0x1  }
0x101: {  	v4 =	vshll.u32 v5, $0x7;
	[tilespmem:s0+$0x4F00] =	vst v3  }
0x102: {  	s24 =	simm.s32 $0x1;
	v3 =	vld.idx.msk [tilespmem:v5+s29+$0x0], $0xffff;
	v5 =	vor.u32 v2, v4  }
0x103: {  	s0 =	simm.s32 $0x2;
	v4 =	vmov s24  }
.LBB2_36:
0x104: {  	p0 =	sne.s32 s0, $0x277;
	_ =	sdelay $0x1  }
.Ltmp17:
0x105: {  	(pc) =	sbr.rel @p0 .LBB2_36-.Ltmp17, $4  }
0x106: {  	[tilespmem:v5+s31+$0x0] =	vst.idx.msk $0xffff, v3  }
0x107: {  	v3 =	vld.idx.msk [tilespmem:v4+s29+$0x0], $0xffff;
	v4 =	vshll.u32 v4, $0x7  }
0x108: {  	v5 =	vor.u32 v2, v4  }
0x109: {  	v4 =	vmov s0;
	s0 =	sadd.s32 $0x1, s0  }
0x10a: {  	_ =	sdelay $0x3  }
0x10b: {  	[tilespmem:v5+s31+$0x0] =	vst.idx.msk $0xffff, v3;
	v3 =	vshll.u32 v4, $0x7  }
0x10c: {  	v63 =	vld.idx.msk [tilespmem:v4+s29+$0x0], $0xffff;
	v3 =	vor.u32 v2, v3;
	_ =	sdelay $0x2  }
0x10d: {  	s1 =	sadd.s32 $0x1, s1  }
0x10e: {  	p0 =	sne.s32 s1, s22  }
.Ltmp18:
0x10f: {  	s0 =	simm.s32 $0x0;
	[tilespmem:v3+s31+$0x0] =	vst.idx.msk $0xffff, v63;
	(pc) =	sbr.rel @p0 .LBB2_1-.Ltmp18, $4  }
0x110: {  	[hbm4b:s21+s0] =	stream.linear.scatter [tilespmem:s31], [sflag:$0x1], $0x13C00, $0x38;
	[tilespmem:$0x1B780] =	vst v63  }
0x111: {  	_ =	swait.ge [sflag:s26], $0x13C00  }
0x112: {  	[sflag:s26] =	ssyncset.done $0x0  }
0x113: {  	[sflag:s26] =	ssyncadd.s32 $0xFFFEC400  }
0x114: {  	_ =	sfence.sel $0x180000  }
0x115: {  	[bflag:$0x0] =	sbarrier.arrive $0xFFFF  }
0x116: {  	_ =	strace $0x90000047  }
0x117: {  	s0 =	stileid.u32;
	[bflag:$0x2] =	sbarrier.arrive $0xFFFF  }
0x118: {  	p0 =	sne.s32 s0, $0x0;
	s0 =	rddreg [dreg:$0x2]  }
0x119: {  	s0 =	sadd.s32 @!p0 $0x100000, s0  }
0x11a: {  	[sflag:s0] =	ssyncadd.tile.s32 @!p0 $0x1;
	_ =	shalt  }
.Lfunc_end2:
_tile_overlayer_lowered:
.L_overlay_start_2:
0x11b: {  	(tag) =	ssettag $0x2  }
0x11c: {  	s0 =	rddreg [dreg:$0x0];
	s2 =	stileid.u32  }
0x11d: {  	s1 =	rddreg [dreg:$0x1];
	p0 =	sne.s32 s2, $0x0  }
0x11e: {  	s3 =	rddreg [dreg:$0x2];
	[bflag:$0x3] =	sbarrier.arrive $0xFFFF;
	s2 =	simm.s32 @!p0 $0x1C01  }
0x11f: {  	[timem:s3], [sflag:s2] =	dma.local @!p0 [hbm:s0], s1  }
0x120: {  	s0 =	simm.s32 @!p0 $0x1  }
0x121: {  	_ =	swait.ge @!p0 [sflag:s0], s1  }
0x122: {  	s1 =	ssub.s32 @!p0 $0x0, s1;
	[sflag:s0] =	ssyncset.done @!p0 $0x0  }
0x123: {  	[sflag:s0] =	ssyncadd.s32 @!p0 s1  }
0x124: {  	[bflag:$0x3] =	sbarrier.arrive $0xFFFF  }
0x125: {  	_ =	shalt  }

</sc_bundles>
